<compile_context>
chip_gen: v7x
topology: tpu7x:2x2x1
jax: 0.10.2.dev20260603
libtpu: 0.0.44.dev20260713+nightly
codegen_flags: <defaults>
</compile_context>

<pallas_src>
import functools

import jax
import jax.numpy as jnp
from jax import lax
from jax.experimental import pallas as pl
from jax.experimental.pallas import tpu as pltpu
from jax.experimental.pallas import tpu_sc as plsc

N = 10000
E = 320000
IN_CH = 128
OUT_CH = 64
HID = 512
G = 64

NC = 2
NS = 16
NW = NC * NS
EB = 128

NP = 10240
RPT = NP // NS
NCHUNK = (E + NW * EB - 1) // (NW * EB)
EPW = NCHUNK * EB
EP = EPW * NW

_mesh = plsc.VectorSubcoreMesh(core_axis_name="c", subcore_axis_name="s")


@functools.partial(
    pl.kernel,
    mesh=_mesh,
    out_type=jax.ShapeDtypeStruct((NW, NP), jnp.float32),
    compiler_params=pltpu.CompilerParams(needs_layout_passes=False),
    scratch_types=[
        pltpu.VMEM((NP,), jnp.float32),
        pltpu.VMEM((EB,), jnp.int32),
    ],
)
def _deg_kernel(dst_hbm, z_hbm, out_hbm, deg_v, idx_v):
    c = lax.axis_index("c")
    s = lax.axis_index("s")
    wid = s * NC + c
    pltpu.sync_copy(z_hbm, deg_v)
    ones16 = jnp.full((16,), 1.0, dtype=jnp.float32)

    def body(i, _):
        pltpu.sync_copy(dst_hbm.at[pl.ds(wid * EPW + i * EB, EB)], idx_v)
        for j in range(EB // 16):
            idx = idx_v[pl.ds(j * 16, 16)]
            plsc.addupdate_scatter(deg_v, [idx], ones16)
        return 0

    lax.fori_loop(0, NCHUNK, body, 0)
    pltpu.sync_copy(deg_v, out_hbm.at[wid])


def _make_scatter(C):
    @functools.partial(
        pl.kernel,
        mesh=_mesh,
        out_type=jax.ShapeDtypeStruct((NC, NP, C), jnp.float32),
        compiler_params=pltpu.CompilerParams(use_tc_tiling_on_sc=False),
        scratch_types=[
            pltpu.VMEM((EB,), jnp.int32),
            pltpu.VMEM((EB,), jnp.int32),
            pltpu.VMEM((EB, C), jnp.float32),
            pltpu.VMEM_SHARED((NP, C), jnp.float32),
            pltpu.SemaphoreType.DMA,
        ],
    )
    def scatter_kernel(xp_hbm, src_hbm, dst_hbm, z_hbm, out_hbm,
                       si, di, rows, acc, sem):
        c = lax.axis_index("c")
        s = lax.axis_index("s")
        wid = s * NC + c
        pltpu.sync_copy(z_hbm, acc.at[pl.ds(s * RPT, RPT)])
        plsc.subcore_barrier()

        def body(i, _):
            base = wid * EPW + i * EB
            pltpu.sync_copy(src_hbm.at[pl.ds(base, EB)], si)
            pltpu.sync_copy(dst_hbm.at[pl.ds(base, EB)], di)
            pltpu.async_copy(xp_hbm.at[si], rows, sem).wait()
            pltpu.sync_copy(rows, acc.at[di], add=True)
            return 0

        lax.fori_loop(0, NCHUNK, body, 0)
        plsc.subcore_barrier()
        pltpu.sync_copy(acc.at[pl.ds(s * RPT, RPT)],
                        out_hbm.at[c, pl.ds(s * RPT, RPT)])

    return scatter_kernel


_scatter128 = _make_scatter(IN_CH)
_scatter64 = _make_scatter(OUT_CH)


def _norm_body(cnt_ref, x_ref, dis_ref, xp_ref):
    tot = jnp.sum(cnt_ref[...], axis=1, keepdims=True) + 1.0
    dis = lax.rsqrt(tot)
    dis_ref[...] = dis
    xp_ref[...] = x_ref[...] * dis


def _mid_body(dis_ref, xp_ref, s1_ref, w1_ref, b1_ref, w2_ref, mp_ref):
    dis = dis_ref[...]
    t = (s1_ref[0] + s1_ref[1] + xp_ref[...]) * dis
    h1 = jnp.maximum(
        jnp.dot(t, w1_ref[...], preferred_element_type=jnp.float32)
        + b1_ref[...], 0.0)
    m = jnp.dot(h1, w2_ref[...], preferred_element_type=jnp.float32)
    mp_ref[...] = m * dis


def _tail_body(dis_ref, mp_ref, s2_ref, b2_ref, batch_ref, out_ref,
               sacc, cacc):
    i = pl.program_id(0)

    @pl.when(i == 0)
    def _():
        sacc[...] = jnp.zeros_like(sacc)
        cacc[...] = jnp.zeros_like(cacc)

    h2 = jnp.maximum(
        (s2_ref[0] + s2_ref[1] + mp_ref[...]) * dis_ref[...] + b2_ref[...],
        0.0)
    blk = batch_ref.shape[0]
    p = (batch_ref[...] == lax.broadcasted_iota(jnp.int32, (blk, G), 1)
         ).astype(jnp.float32)
    dn = (((0,), (0,)), ((), ()))
    sacc[...] += lax.dot_general(p, h2, dn,
                                 preferred_element_type=jnp.float32)
    ones = jnp.ones((blk, 1), dtype=jnp.float32)
    cacc[...] += lax.dot_general(p, ones, dn,
                                 preferred_element_type=jnp.float32)

    @pl.when(i == pl.num_programs(0) - 1)
    def _():
        out_ref[...] = sacc[...] / jnp.maximum(cacc[...], 1.0)


def kernel(x, edge_index, batch, W1, b1, W2, b2):
    f32 = jnp.float32
    src = jnp.concatenate(
        [edge_index[0], jnp.full((EP - E,), N, dtype=jnp.int32)])
    dst = jnp.concatenate(
        [edge_index[1], jnp.full((EP - E,), N, dtype=jnp.int32)])
    x_pad = jnp.zeros((NP, IN_CH), f32).at[:N].set(x)
    batch_pad = jnp.full((NP, 1), G, jnp.int32).at[:N, 0].set(batch)

    z_np = jnp.zeros((NP,), f32)
    z128 = jnp.zeros((RPT, IN_CH), f32)
    z64 = jnp.zeros((RPT, OUT_CH), f32)

    cnts = _deg_kernel(dst, z_np)
    cnts_t = cnts.T

    BLK = NP // 8
    grid = (8,)
    dis, xp = pl.pallas_call(
        _norm_body,
        grid=grid,
        in_specs=[
            pl.BlockSpec((BLK, NW), lambda i: (i, 0)),
            pl.BlockSpec((BLK, IN_CH), lambda i: (i, 0)),
        ],
        out_specs=[
            pl.BlockSpec((BLK, 1), lambda i: (i, 0)),
            pl.BlockSpec((BLK, IN_CH), lambda i: (i, 0)),
        ],
        out_shape=[
            jax.ShapeDtypeStruct((NP, 1), f32),
            jax.ShapeDtypeStruct((NP, IN_CH), f32),
        ],
    )(cnts_t, x_pad)

    s1 = _scatter128(xp, src, dst, z128)

    mp = pl.pallas_call(
        _mid_body,
        grid=grid,
        in_specs=[
            pl.BlockSpec((BLK, 1), lambda i: (i, 0)),
            pl.BlockSpec((BLK, IN_CH), lambda i: (i, 0)),
            pl.BlockSpec((NC, BLK, IN_CH), lambda i: (0, i, 0)),
            pl.BlockSpec((IN_CH, HID), lambda i: (0, 0)),
            pl.BlockSpec((1, HID), lambda i: (0, 0)),
            pl.BlockSpec((HID, OUT_CH), lambda i: (0, 0)),
        ],
        out_specs=pl.BlockSpec((BLK, OUT_CH), lambda i: (i, 0)),
        out_shape=jax.ShapeDtypeStruct((NP, OUT_CH), f32),
    )(dis, xp, s1, W1, b1.reshape(1, HID), W2)

    s2 = _scatter64(mp, src, dst, z64)

    out = pl.pallas_call(
        _tail_body,
        grid=grid,
        in_specs=[
            pl.BlockSpec((BLK, 1), lambda i: (i, 0)),
            pl.BlockSpec((BLK, OUT_CH), lambda i: (i, 0)),
            pl.BlockSpec((NC, BLK, OUT_CH), lambda i: (0, i, 0)),
            pl.BlockSpec((1, OUT_CH), lambda i: (0, 0)),
            pl.BlockSpec((BLK, 1), lambda i: (i, 0)),
        ],
        out_specs=pl.BlockSpec((G, OUT_CH), lambda i: (0, 0)),
        out_shape=jax.ShapeDtypeStruct((G, OUT_CH), f32),
        scratch_shapes=[
            pltpu.VMEM((G, OUT_CH), f32),
            pltpu.VMEM((G, 1), f32),
        ],
    )(dis, mp, s2, b2.reshape(1, OUT_CH), batch_pad)

    return out

# --- scband reference (transcript-rebuilt; emitter-appended) ---
"""Pipeline reference for scband-encoder-25185688224506 (READ-ONLY COPY).

The authoritative reference and input builder live on the scoring server;
editing this copy changes nothing except your own understanding.
"""

import jax, jax.numpy as jnp
import numpy as np

N = 10000
E = 320000
IN_CH = 128
OUT_CH = 64
HID = 8 * OUT_CH  # 512
G = 64  # number of graphs in the batch


def _gcn_conv(x, edge_index, W, b):
    # Faithful PyG GCNConv: add self-loops, symmetric normalization, linear, scatter-add, bias
    n = x.shape[0]
    loop = jnp.arange(n, dtype=edge_index.dtype)
    src = jnp.concatenate([edge_index[0], loop])
    dst = jnp.concatenate([edge_index[1], loop])
    ones = jnp.ones(src.shape[0], dtype=x.dtype)
    deg = jax.ops.segment_sum(ones, dst, num_segments=n)
    deg_inv_sqrt = jnp.where(deg > 0, 1.0 / jnp.sqrt(deg), 0.0)
    norm = deg_inv_sqrt[src] * deg_inv_sqrt[dst]
    h = x @ W
    msg = h[src] * norm[:, None]
    out = jax.ops.segment_sum(msg, dst, num_segments=n)
    return out + b


def _global_mean_pool(x, batch, num_graphs):
    s = jax.ops.segment_sum(x, batch, num_segments=num_graphs)
    cnt = jax.ops.segment_sum(jnp.ones((x.shape[0],), dtype=x.dtype), batch, num_segments=num_graphs)
    return s / jnp.clip(cnt, 1.0)[:, None]


def setup_inputs(seed: int = 0) -> dict:
    key = jax.random.key(seed)
    k1, k2, k3, k4, k5 = jax.random.split(key, 5)
    x = jax.random.normal(k1, (N, IN_CH), dtype=jnp.float32)
    edge_index = jax.random.randint(k2, (2, E), 0, N, dtype=jnp.int32)
    batch = jnp.sort(jax.random.randint(k3, (N,), 0, G, dtype=jnp.int32))
    W1 = jax.random.normal(k4, (IN_CH, HID), dtype=jnp.float32) * (1.0 / np.sqrt(IN_CH))
    b1 = jnp.zeros((HID,), dtype=jnp.float32)
    W2 = jax.random.normal(k5, (HID, OUT_CH), dtype=jnp.float32) * (1.0 / np.sqrt(HID))
    b2 = jnp.zeros((OUT_CH,), dtype=jnp.float32)
    return {"x": x, "edge_index": edge_index, "batch": batch, "W1": W1, "b1": b1, "W2": W2, "b2": b2}


def reference(x, edge_index, batch, W1, b1, W2, b2):
    h = jax.nn.relu(_gcn_conv(x, edge_index, W1, b1))
    h = jax.nn.relu(_gcn_conv(h, edge_index, W2, b2))
    return _global_mean_pool(h, batch, G)

if __name__ == "__main__":
    import jax
    _d = setup_inputs()
    print(jax.jit(kernel)(*tuple(_d.values())))

</pallas_src>

<mosaic_0001>
#map = affine_map<(d0, d1) -> (0, 0)>
#map1 = affine_map<(d0, d1) -> (0)>
#map2 = affine_map<(d0, d1) -> (0, 0, 0)>
module attributes {stable_mosaic.version = 14 : i64} {
  func.func @scatter_kernel(%arg0: i32, %arg1: i32, %arg2: memref<10240x128xf32, #tpu.memory_space<hbm>>, %arg3: memref<323584xi32, #tpu.memory_space<hbm>>, %arg4: memref<323584xi32, #tpu.memory_space<hbm>>, %arg5: memref<640x128xf32, #tpu.memory_space<hbm>>, %arg6: memref<2x10240x128xf32, #tpu.memory_space<hbm>>, %arg7: memref<128xi32, #tpu.memory_space<vmem>>, %arg8: memref<128xi32, #tpu.memory_space<vmem>>, %arg9: memref<128x128xf32, #tpu.memory_space<vmem>>, %arg10: memref<10240x128xf32, #tpu.memory_space<vmem_shared>>, %arg11: memref<!tpu.dma_semaphore, #tpu.memory_space<semaphore_mem>>) attributes {dimension_semantics = [#tpu.dimension_semantics<core_parallel>, #tpu.dimension_semantics<subcore_parallel>], iteration_bounds = array<i64: 2, 16>, scalar_prefetch = 0 : i64, scratch_operands = 5 : i64, tpu.core_type = #tpu.core_type<sc_vector_subcore>, window_params = [{transform_indices = #map}, {transform_indices = #map1}, {transform_indices = #map1}, {transform_indices = #map}, {transform_indices = #map2}]} {
    %mul3A = arith.constant 2 : i32
    %mul3A_0 = arith.muli %arg1, %mul3A : i32
    %add3A = arith.addi %mul3A_0, %arg0 : i32
    %mul3A_1 = arith.constant 640 : i32
    %mul3A_2 = arith.muli %arg1, %mul3A_1 : i32
    "tpu.region"() ({
      %run_scoped3A = tpu.sem_alloc : memref<!tpu.dma_semaphore, #tpu.memory_space<semaphore_mem>>
      %dma_start3A = arith.constant 0 : i32
      %dma_start3A_14 = tpu.memref_slice %arg10[%mul3A_2, %dma_start3A] : memref<10240x128xf32, #tpu.memory_space<vmem_shared>> -> memref<640x128xf32, #tpu.memory_space<vmem_shared>>
      tpu.enqueue_dma source(%arg5 : memref<640x128xf32, #tpu.memory_space<hbm>>) target(%dma_start3A_14 : memref<640x128xf32, #tpu.memory_space<vmem_shared>>) target_semaphore(%run_scoped3A : memref<!tpu.dma_semaphore, #tpu.memory_space<semaphore_mem>>)
      %dma_wait3A = arith.constant 0 : i32
      %dma_wait3A_15 = tpu.memref_slice %arg10[%mul3A_2, %dma_wait3A] : memref<10240x128xf32, #tpu.memory_space<vmem_shared>> -> memref<640x128xf32, #tpu.memory_space<vmem_shared>>
      tpu.wait_dma2 semaphore(%run_scoped3A : memref<!tpu.dma_semaphore, #tpu.memory_space<semaphore_mem>>) src(%arg5 : memref<640x128xf32, #tpu.memory_space<hbm>>) dst(%dma_wait3A_15 : memref<640x128xf32, #tpu.memory_space<vmem_shared>>)
      tpu.yield
    }) : () -> ()
    %barrier3A = arith.constant 0 : index
    tpu.barrier barrier_id(%barrier3A)
    %scan3A = arith.constant 0 : i32
    %scan3A_3 = arith.constant 0 : i32
    %scan3A_4 = arith.constant 79 : i32
    %scan3A_5 = arith.addi %scan3A_3, %scan3A_4 : i32
    %scan3A_6 = arith.constant 1 : i32
    %scan3A_7 = scf.for %scan3A_14 = %scan3A_3 to %scan3A_5 step %scan3A_6 iter_args(%scan3A_15 = %scan3A) -> (i32)  : i32 {
      %mul3A_16 = arith.constant 10112 : i32
      %mul3A_17 = arith.muli %add3A, %mul3A_16 : i32
      %mul3A_18 = arith.constant 128 : i32
      %mul3A_19 = arith.muli %scan3A_14, %mul3A_18 : i32
      %add3A_20 = arith.addi %mul3A_17, %mul3A_19 : i32
      "tpu.region"() ({
        %run_scoped3A = tpu.sem_alloc : memref<!tpu.dma_semaphore, #tpu.memory_space<semaphore_mem>>
        %dma_start3A_26 = tpu.memref_slice %arg3[%add3A_20] : memref<323584xi32, #tpu.memory_space<hbm>> -> memref<128xi32, #tpu.memory_space<hbm>>
        %dma_start3A_27 = tpu.memref_slice %arg3[%add3A_20] : memref<323584xi32, #tpu.memory_space<hbm>> -> memref<128xi32, #tpu.memory_space<hbm>>
        tpu.enqueue_dma source(%dma_start3A_27 : memref<128xi32, #tpu.memory_space<hbm>>) target(%arg7 : memref<128xi32, #tpu.memory_space<vmem>>) target_semaphore(%run_scoped3A : memref<!tpu.dma_semaphore, #tpu.memory_space<semaphore_mem>>)
        %dma_wait3A_28 = tpu.memref_slice %arg3[%add3A_20] : memref<323584xi32, #tpu.memory_space<hbm>> -> memref<128xi32, #tpu.memory_space<hbm>>
        %dma_wait3A_29 = tpu.memref_slice %arg3[%add3A_20] : memref<323584xi32, #tpu.memory_space<hbm>> -> memref<128xi32, #tpu.memory_space<hbm>>
        tpu.wait_dma2 semaphore(%run_scoped3A : memref<!tpu.dma_semaphore, #tpu.memory_space<semaphore_mem>>) src(%dma_wait3A_29 : memref<128xi32, #tpu.memory_space<hbm>>) dst(%arg7 : memref<128xi32, #tpu.memory_space<vmem>>)
        tpu.yield
      }) : () -> ()
      "tpu.region"() ({
        %run_scoped3A = tpu.sem_alloc : memref<!tpu.dma_semaphore, #tpu.memory_space<semaphore_mem>>
        %dma_start3A_26 = tpu.memref_slice %arg4[%add3A_20] : memref<323584xi32, #tpu.memory_space<hbm>> -> memref<128xi32, #tpu.memory_space<hbm>>
        %dma_start3A_27 = tpu.memref_slice %arg4[%add3A_20] : memref<323584xi32, #tpu.memory_space<hbm>> -> memref<128xi32, #tpu.memory_space<hbm>>
        tpu.enqueue_dma source(%dma_start3A_27 : memref<128xi32, #tpu.memory_space<hbm>>) target(%arg8 : memref<128xi32, #tpu.memory_space<vmem>>) target_semaphore(%run_scoped3A : memref<!tpu.dma_semaphore, #tpu.memory_space<semaphore_mem>>)
        %dma_wait3A_28 = tpu.memref_slice %arg4[%add3A_20] : memref<323584xi32, #tpu.memory_space<hbm>> -> memref<128xi32, #tpu.memory_space<hbm>>
        %dma_wait3A_29 = tpu.memref_slice %arg4[%add3A_20] : memref<323584xi32, #tpu.memory_space<hbm>> -> memref<128xi32, #tpu.memory_space<hbm>>
        tpu.wait_dma2 semaphore(%run_scoped3A : memref<!tpu.dma_semaphore, #tpu.memory_space<semaphore_mem>>) src(%dma_wait3A_29 : memref<128xi32, #tpu.memory_space<hbm>>) dst(%arg8 : memref<128xi32, #tpu.memory_space<vmem>>)
        tpu.yield
      }) : () -> ()
      %dma_start3A = arith.constant 0 : i32
      %dma_start3A_21 = arith.constant 0 : i32
      %dma_start3A_22 = tpu.memref_slice %arg2[%dma_start3A, %dma_start3A_21] : memref<10240x128xf32, #tpu.memory_space<hbm>> -> memref<10240x128xf32, #tpu.memory_space<hbm>>
      tpu.enqueue_indirect_dma source(%dma_start3A_22 : memref<10240x128xf32, #tpu.memory_space<hbm>>) target(%arg9 : memref<128x128xf32, #tpu.memory_space<vmem>>) offsets(%arg7 : memref<128xi32, #tpu.memory_space<vmem>>) semaphore(%arg11 : memref<!tpu.dma_semaphore, #tpu.memory_space<semaphore_mem>>)
      %dma_wait3A = arith.constant 0 : i32
      %dma_wait3A_23 = arith.constant 0 : i32
      %dma_wait3A_24 = tpu.memref_slice %arg2[%dma_wait3A, %dma_wait3A_23] : memref<10240x128xf32, #tpu.memory_space<hbm>> -> memref<10240x128xf32, #tpu.memory_space<hbm>>
      tpu.wait_indirect_dma semaphore(%arg11 : memref<!tpu.dma_semaphore, #tpu.memory_space<semaphore_mem>>) src(%dma_wait3A_24 : memref<10240x128xf32, #tpu.memory_space<hbm>>) dst(%arg9 : memref<128x128xf32, #tpu.memory_space<vmem>>)
      "tpu.region"() ({
        %run_scoped3A = tpu.sem_alloc : memref<!tpu.dma_semaphore, #tpu.memory_space<semaphore_mem>>
        %dma_start3A_26 = arith.constant 0 : i32
        %dma_start3A_27 = arith.constant 0 : i32
        %dma_start3A_28 = tpu.memref_slice %arg10[%dma_start3A_26, %dma_start3A_27] : memref<10240x128xf32, #tpu.memory_space<vmem_shared>> -> memref<10240x128xf32, #tpu.memory_space<vmem_shared>>
        tpu.enqueue_indirect_dma source(%arg9 : memref<128x128xf32, #tpu.memory_space<vmem>>) target(%dma_start3A_28 : memref<10240x128xf32, #tpu.memory_space<vmem_shared>>) offsets(%arg8 : memref<128xi32, #tpu.memory_space<vmem>>) semaphore(%run_scoped3A : memref<!tpu.dma_semaphore, #tpu.memory_space<semaphore_mem>>) {add = true}
        %dma_wait3A_29 = arith.constant 0 : i32
        %dma_wait3A_30 = arith.constant 0 : i32
        %dma_wait3A_31 = tpu.memref_slice %arg10[%dma_wait3A_29, %dma_wait3A_30] : memref<10240x128xf32, #tpu.memory_space<vmem_shared>> -> memref<10240x128xf32, #tpu.memory_space<vmem_shared>>
        tpu.wait_indirect_dma semaphore(%run_scoped3A : memref<!tpu.dma_semaphore, #tpu.memory_space<semaphore_mem>>) src(%arg9 : memref<128x128xf32, #tpu.memory_space<vmem>>) dst(%dma_wait3A_31 : memref<10240x128xf32, #tpu.memory_space<vmem_shared>>)
        tpu.yield
      }) : () -> ()
      %scan3A_25 = arith.constant 0 : i32
      scf.yield %scan3A_25 : i32
    }
    %scan3A_8 = arith.constant 79 : i32
    %barrier3A_9 = arith.constant 0 : index
    tpu.barrier barrier_id(%barrier3A_9)
    %mul3A_10 = arith.constant 640 : i32
    %mul3A_11 = arith.muli %arg1, %mul3A_10 : i32
    %mul3A_12 = arith.constant 640 : i32
    %mul3A_13 = arith.muli %arg1, %mul3A_12 : i32
    "tpu.region"() ({
      %run_scoped3A = tpu.sem_alloc : memref<!tpu.dma_semaphore, #tpu.memory_space<semaphore_mem>>
      %dma_start3A = arith.constant 0 : i32
      %dma_start3A_14 = tpu.memref_slice %arg6[%arg0, %mul3A_13, %dma_start3A] : memref<2x10240x128xf32, #tpu.memory_space<hbm>> -> memref<1x640x128xf32, #tpu.memory_space<hbm>>
      %dma_start3A_15 = tpu.memref_squeeze %dma_start3A_14 : memref<1x640x128xf32, #tpu.memory_space<hbm>> -> memref<640x128xf32, #tpu.memory_space<hbm>>
      %dma_start3A_16 = arith.constant 0 : i32
      %dma_start3A_17 = tpu.memref_slice %arg10[%mul3A_11, %dma_start3A_16] : memref<10240x128xf32, #tpu.memory_space<vmem_shared>> -> memref<640x128xf32, #tpu.memory_space<vmem_shared>>
      tpu.enqueue_dma source(%dma_start3A_17 : memref<640x128xf32, #tpu.memory_space<vmem_shared>>) target(%dma_start3A_15 : memref<640x128xf32, #tpu.memory_space<hbm>>) target_semaphore(%run_scoped3A : memref<!tpu.dma_semaphore, #tpu.memory_space<semaphore_mem>>)
      %dma_wait3A = arith.constant 0 : i32
      %dma_wait3A_18 = tpu.memref_slice %arg6[%arg0, %mul3A_13, %dma_wait3A] : memref<2x10240x128xf32, #tpu.memory_space<hbm>> -> memref<1x640x128xf32, #tpu.memory_space<hbm>>
      %dma_wait3A_19 = tpu.memref_squeeze %dma_wait3A_18 : memref<1x640x128xf32, #tpu.memory_space<hbm>> -> memref<640x128xf32, #tpu.memory_space<hbm>>
      %dma_wait3A_20 = arith.constant 0 : i32
      %dma_wait3A_21 = tpu.memref_slice %arg10[%mul3A_11, %dma_wait3A_20] : memref<10240x128xf32, #tpu.memory_space<vmem_shared>> -> memref<640x128xf32, #tpu.memory_space<vmem_shared>>
      tpu.wait_dma2 semaphore(%run_scoped3A : memref<!tpu.dma_semaphore, #tpu.memory_space<semaphore_mem>>) src(%dma_wait3A_21 : memref<640x128xf32, #tpu.memory_space<vmem_shared>>) dst(%dma_wait3A_19 : memref<640x128xf32, #tpu.memory_space<hbm>>)
      tpu.yield
    }) : () -> ()
    return
  }
}

#map = affine_map<(d0, d1) -> (0)>
#map1 = affine_map<(d0, d1) -> (0, 0)>
module attributes {stable_mosaic.version = 14 : i64} {
  func.func @_deg_kernel(%arg0: i32, %arg1: i32, %arg2: memref<323584xi32, #tpu.memory_space<hbm>>, %arg3: memref<10240xf32, #tpu.memory_space<hbm>>, %arg4: memref<32x10240xf32, #tpu.memory_space<hbm>>, %arg5: memref<10240xf32, #tpu.memory_space<vmem>>, %arg6: memref<128xi32, #tpu.memory_space<vmem>>) attributes {dimension_semantics = [#tpu.dimension_semantics<core_parallel>, #tpu.dimension_semantics<subcore_parallel>], iteration_bounds = array<i64: 2, 16>, scalar_prefetch = 0 : i64, scratch_operands = 2 : i64, tpu.core_type = #tpu.core_type<sc_vector_subcore>, window_params = [{transform_indices = #map}, {transform_indices = #map}, {transform_indices = #map1}]} {
    %mul3A = arith.constant 2 : i32
    %mul3A_0 = arith.muli %arg1, %mul3A : i32
    %add3A = arith.addi %mul3A_0, %arg0 : i32
    "tpu.region"() ({
      %run_scoped3A = tpu.sem_alloc : memref<!tpu.dma_semaphore, #tpu.memory_space<semaphore_mem>>
      tpu.enqueue_dma source(%arg3 : memref<10240xf32, #tpu.memory_space<hbm>>) target(%arg5 : memref<10240xf32, #tpu.memory_space<vmem>>) target_semaphore(%run_scoped3A : memref<!tpu.dma_semaphore, #tpu.memory_space<semaphore_mem>>)
      tpu.wait_dma2 semaphore(%run_scoped3A : memref<!tpu.dma_semaphore, #tpu.memory_space<semaphore_mem>>) src(%arg3 : memref<10240xf32, #tpu.memory_space<hbm>>) dst(%arg5 : memref<10240xf32, #tpu.memory_space<vmem>>)
      tpu.yield
    }) : () -> ()
    %broadcast_in_dim3A = arith.constant 1.000000e+00 : f32
    %broadcast_in_dim3A_1 = vector.broadcast %broadcast_in_dim3A : f32 to vector<16xf32>
    %scan3A = arith.constant 0 : i32
    %scan3A_2 = arith.constant 0 : i32
    %scan3A_3 = arith.constant 79 : i32
    %scan3A_4 = arith.addi %scan3A_2, %scan3A_3 : i32
    %scan3A_5 = arith.constant 1 : i32
    %scan3A_6 = scf.for %scan3A_8 = %scan3A_2 to %scan3A_4 step %scan3A_5 iter_args(%scan3A_9 = %scan3A) -> (i32)  : i32 {
      %mul3A_10 = arith.constant 10112 : i32
      %mul3A_11 = arith.muli %add3A, %mul3A_10 : i32
      %mul3A_12 = arith.constant 128 : i32
      %mul3A_13 = arith.muli %scan3A_8, %mul3A_12 : i32
      %add3A_14 = arith.addi %mul3A_11, %mul3A_13 : i32
      "tpu.region"() ({
        %run_scoped3A = tpu.sem_alloc : memref<!tpu.dma_semaphore, #tpu.memory_space<semaphore_mem>>
        %dma_start3A = tpu.memref_slice %arg2[%add3A_14] : memref<323584xi32, #tpu.memory_space<hbm>> -> memref<128xi32, #tpu.memory_space<hbm>>
        %dma_start3A_31 = tpu.memref_slice %arg2[%add3A_14] : memref<323584xi32, #tpu.memory_space<hbm>> -> memref<128xi32, #tpu.memory_space<hbm>>
        tpu.enqueue_dma source(%dma_start3A_31 : memref<128xi32, #tpu.memory_space<hbm>>) target(%arg6 : memref<128xi32, #tpu.memory_space<vmem>>) target_semaphore(%run_scoped3A : memref<!tpu.dma_semaphore, #tpu.memory_space<semaphore_mem>>)
        %dma_wait3A = tpu.memref_slice %arg2[%add3A_14] : memref<323584xi32, #tpu.memory_space<hbm>> -> memref<128xi32, #tpu.memory_space<hbm>>
        %dma_wait3A_32 = tpu.memref_slice %arg2[%add3A_14] : memref<323584xi32, #tpu.memory_space<hbm>> -> memref<128xi32, #tpu.memory_space<hbm>>
        tpu.wait_dma2 semaphore(%run_scoped3A : memref<!tpu.dma_semaphore, #tpu.memory_space<semaphore_mem>>) src(%dma_wait3A_32 : memref<128xi32, #tpu.memory_space<hbm>>) dst(%arg6 : memref<128xi32, #tpu.memory_space<vmem>>)
        tpu.yield
      }) : () -> ()
      %get3A = arith.constant 0 : index
      %get3A_15 = tpu.vector_load %arg6[%get3A] {strides = array<i32>} : memref<128xi32, #tpu.memory_space<vmem>>, vector<16xi32>,
      tpu.vector_store_idx %arg5[%get3A_15], %broadcast_in_dim3A_1 {add = true} : memref<10240xf32, #tpu.memory_space<vmem>>[vector<16xi32>], vector<16xf32>,
      %get3A_16 = arith.constant 16 : index
      %get3A_17 = tpu.vector_load %arg6[%get3A_16] {strides = array<i32>} : memref<128xi32, #tpu.memory_space<vmem>>, vector<16xi32>,
      tpu.vector_store_idx %arg5[%get3A_17], %broadcast_in_dim3A_1 {add = true} : memref<10240xf32, #tpu.memory_space<vmem>>[vector<16xi32>], vector<16xf32>,
      %get3A_18 = arith.constant 32 : index
      %get3A_19 = tpu.vector_load %arg6[%get3A_18] {strides = array<i32>} : memref<128xi32, #tpu.memory_space<vmem>>, vector<16xi32>,
      tpu.vector_store_idx %arg5[%get3A_19], %broadcast_in_dim3A_1 {add = true} : memref<10240xf32, #tpu.memory_space<vmem>>[vector<16xi32>], vector<16xf32>,
      %get3A_20 = arith.constant 48 : index
      %get3A_21 = tpu.vector_load %arg6[%get3A_20] {strides = array<i32>} : memref<128xi32, #tpu.memory_space<vmem>>, vector<16xi32>,
      tpu.vector_store_idx %arg5[%get3A_21], %broadcast_in_dim3A_1 {add = true} : memref<10240xf32, #tpu.memory_space<vmem>>[vector<16xi32>], vector<16xf32>,
      %get3A_22 = arith.constant 64 : index
      %get3A_23 = tpu.vector_load %arg6[%get3A_22] {strides = array<i32>} : memref<128xi32, #tpu.memory_space<vmem>>, vector<16xi32>,
      tpu.vector_store_idx %arg5[%get3A_23], %broadcast_in_dim3A_1 {add = true} : memref<10240xf32, #tpu.memory_space<vmem>>[vector<16xi32>], vector<16xf32>,
      %get3A_24 = arith.constant 80 : index
      %get3A_25 = tpu.vector_load %arg6[%get3A_24] {strides = array<i32>} : memref<128xi32, #tpu.memory_space<vmem>>, vector<16xi32>,
      tpu.vector_store_idx %arg5[%get3A_25], %broadcast_in_dim3A_1 {add = true} : memref<10240xf32, #tpu.memory_space<vmem>>[vector<16xi32>], vector<16xf32>,
      %get3A_26 = arith.constant 96 : index
      %get3A_27 = tpu.vector_load %arg6[%get3A_26] {strides = array<i32>} : memref<128xi32, #tpu.memory_space<vmem>>, vector<16xi32>,
      tpu.vector_store_idx %arg5[%get3A_27], %broadcast_in_dim3A_1 {add = true} : memref<10240xf32, #tpu.memory_space<vmem>>[vector<16xi32>], vector<16xf32>,
      %get3A_28 = arith.constant 112 : index
      %get3A_29 = tpu.vector_load %arg6[%get3A_28] {strides = array<i32>} : memref<128xi32, #tpu.memory_space<vmem>>, vector<16xi32>,
      tpu.vector_store_idx %arg5[%get3A_29], %broadcast_in_dim3A_1 {add = true} : memref<10240xf32, #tpu.memory_space<vmem>>[vector<16xi32>], vector<16xf32>,
      %scan3A_30 = arith.constant 0 : i32
      scf.yield %scan3A_30 : i32
    }
    %scan3A_7 = arith.constant 79 : i32
    "tpu.region"() ({
      %run_scoped3A = tpu.sem_alloc : memref<!tpu.dma_semaphore, #tpu.memory_space<semaphore_mem>>
      %dma_start3A = arith.constant 0 : i32
      %dma_start3A_8 = tpu.memref_slice %arg4[%add3A, %dma_start3A] : memref<32x10240xf32, #tpu.memory_space<hbm>> -> memref<1x10240xf32, #tpu.memory_space<hbm>>
      %dma_start3A_9 = tpu.memref_squeeze %dma_start3A_8 : memref<1x10240xf32, #tpu.memory_space<hbm>> -> memref<10240xf32, #tpu.memory_space<hbm>>
      %dma_start3A_10 = arith.constant 0 : i32
      %dma_start3A_11 = tpu.memref_slice %arg4[%add3A, %dma_start3A_10] : memref<32x10240xf32, #tpu.memory_space<hbm>> -> memref<1x10240xf32, #tpu.memory_space<hbm>>
      %dma_start3A_12 = tpu.memref_squeeze %dma_start3A_11 : memref<1x10240xf32, #tpu.memory_space<hbm>> -> memref<10240xf32, #tpu.memory_space<hbm>>
      tpu.enqueue_dma source(%arg5 : memref<10240xf32, #tpu.memory_space<vmem>>) target(%dma_start3A_12 : memref<10240xf32, #tpu.memory_space<hbm>>) target_semaphore(%run_scoped3A : memref<!tpu.dma_semaphore, #tpu.memory_space<semaphore_mem>>)
      %dma_wait3A = arith.constant 0 : i32
      %dma_wait3A_13 = tpu.memref_slice %arg4[%add3A, %dma_wait3A] : memref<32x10240xf32, #tpu.memory_space<hbm>> -> memref<1x10240xf32, #tpu.memory_space<hbm>>
      %dma_wait3A_14 = tpu.memref_squeeze %dma_wait3A_13 : memref<1x10240xf32, #tpu.memory_space<hbm>> -> memref<10240xf32, #tpu.memory_space<hbm>>
      %dma_wait3A_15 = arith.constant 0 : i32
      %dma_wait3A_16 = tpu.memref_slice %arg4[%add3A, %dma_wait3A_15] : memref<32x10240xf32, #tpu.memory_space<hbm>> -> memref<1x10240xf32, #tpu.memory_space<hbm>>
      %dma_wait3A_17 = tpu.memref_squeeze %dma_wait3A_16 : memref<1x10240xf32, #tpu.memory_space<hbm>> -> memref<10240xf32, #tpu.memory_space<hbm>>
      tpu.wait_dma2 semaphore(%run_scoped3A : memref<!tpu.dma_semaphore, #tpu.memory_space<semaphore_mem>>) src(%arg5 : memref<10240xf32, #tpu.memory_space<vmem>>) dst(%dma_wait3A_17 : memref<10240xf32, #tpu.memory_space<hbm>>)
      tpu.yield
    }) : () -> ()
    return
  }
}

#map = affine_map<(d0, d1) -> (0, 0)>
#map1 = affine_map<(d0, d1) -> (0)>
#map2 = affine_map<(d0, d1) -> (0, 0, 0)>
module attributes {stable_mosaic.version = 14 : i64} {
  func.func @scatter_kernel(%arg0: i32, %arg1: i32, %arg2: memref<10240x64xf32, #tpu.memory_space<hbm>>, %arg3: memref<323584xi32, #tpu.memory_space<hbm>>, %arg4: memref<323584xi32, #tpu.memory_space<hbm>>, %arg5: memref<640x64xf32, #tpu.memory_space<hbm>>, %arg6: memref<2x10240x64xf32, #tpu.memory_space<hbm>>, %arg7: memref<128xi32, #tpu.memory_space<vmem>>, %arg8: memref<128xi32, #tpu.memory_space<vmem>>, %arg9: memref<128x64xf32, #tpu.memory_space<vmem>>, %arg10: memref<10240x64xf32, #tpu.memory_space<vmem_shared>>, %arg11: memref<!tpu.dma_semaphore, #tpu.memory_space<semaphore_mem>>) attributes {dimension_semantics = [#tpu.dimension_semantics<core_parallel>, #tpu.dimension_semantics<subcore_parallel>], iteration_bounds = array<i64: 2, 16>, scalar_prefetch = 0 : i64, scratch_operands = 5 : i64, tpu.core_type = #tpu.core_type<sc_vector_subcore>, window_params = [{transform_indices = #map}, {transform_indices = #map1}, {transform_indices = #map1}, {transform_indices = #map}, {transform_indices = #map2}]} {
    %mul3A = arith.constant 2 : i32
    %mul3A_0 = arith.muli %arg1, %mul3A : i32
    %add3A = arith.addi %mul3A_0, %arg0 : i32
    %mul3A_1 = arith.constant 640 : i32
    %mul3A_2 = arith.muli %arg1, %mul3A_1 : i32
    "tpu.region"() ({
      %run_scoped3A = tpu.sem_alloc : memref<!tpu.dma_semaphore, #tpu.memory_space<semaphore_mem>>
      %dma_start3A = arith.constant 0 : i32
      %dma_start3A_14 = tpu.memref_slice %arg10[%mul3A_2, %dma_start3A] : memref<10240x64xf32, #tpu.memory_space<vmem_shared>> -> memref<640x64xf32, #tpu.memory_space<vmem_shared>>
      tpu.enqueue_dma source(%arg5 : memref<640x64xf32, #tpu.memory_space<hbm>>) target(%dma_start3A_14 : memref<640x64xf32, #tpu.memory_space<vmem_shared>>) target_semaphore(%run_scoped3A : memref<!tpu.dma_semaphore, #tpu.memory_space<semaphore_mem>>)
      %dma_wait3A = arith.constant 0 : i32
      %dma_wait3A_15 = tpu.memref_slice %arg10[%mul3A_2, %dma_wait3A] : memref<10240x64xf32, #tpu.memory_space<vmem_shared>> -> memref<640x64xf32, #tpu.memory_space<vmem_shared>>
      tpu.wait_dma2 semaphore(%run_scoped3A : memref<!tpu.dma_semaphore, #tpu.memory_space<semaphore_mem>>) src(%arg5 : memref<640x64xf32, #tpu.memory_space<hbm>>) dst(%dma_wait3A_15 : memref<640x64xf32, #tpu.memory_space<vmem_shared>>)
      tpu.yield
    }) : () -> ()
    %barrier3A = arith.constant 0 : index
    tpu.barrier barrier_id(%barrier3A)
    %scan3A = arith.constant 0 : i32
    %scan3A_3 = arith.constant 0 : i32
    %scan3A_4 = arith.constant 79 : i32
    %scan3A_5 = arith.addi %scan3A_3, %scan3A_4 : i32
    %scan3A_6 = arith.constant 1 : i32
    %scan3A_7 = scf.for %scan3A_14 = %scan3A_3 to %scan3A_5 step %scan3A_6 iter_args(%scan3A_15 = %scan3A) -> (i32)  : i32 {
      %mul3A_16 = arith.constant 10112 : i32
      %mul3A_17 = arith.muli %add3A, %mul3A_16 : i32
      %mul3A_18 = arith.constant 128 : i32
      %mul3A_19 = arith.muli %scan3A_14, %mul3A_18 : i32
      %add3A_20 = arith.addi %mul3A_17, %mul3A_19 : i32
      "tpu.region"() ({
        %run_scoped3A = tpu.sem_alloc : memref<!tpu.dma_semaphore, #tpu.memory_space<semaphore_mem>>
        %dma_start3A_26 = tpu.memref_slice %arg3[%add3A_20] : memref<323584xi32, #tpu.memory_space<hbm>> -> memref<128xi32, #tpu.memory_space<hbm>>
        %dma_start3A_27 = tpu.memref_slice %arg3[%add3A_20] : memref<323584xi32, #tpu.memory_space<hbm>> -> memref<128xi32, #tpu.memory_space<hbm>>
        tpu.enqueue_dma source(%dma_start3A_27 : memref<128xi32, #tpu.memory_space<hbm>>) target(%arg7 : memref<128xi32, #tpu.memory_space<vmem>>) target_semaphore(%run_scoped3A : memref<!tpu.dma_semaphore, #tpu.memory_space<semaphore_mem>>)
        %dma_wait3A_28 = tpu.memref_slice %arg3[%add3A_20] : memref<323584xi32, #tpu.memory_space<hbm>> -> memref<128xi32, #tpu.memory_space<hbm>>
        %dma_wait3A_29 = tpu.memref_slice %arg3[%add3A_20] : memref<323584xi32, #tpu.memory_space<hbm>> -> memref<128xi32, #tpu.memory_space<hbm>>
        tpu.wait_dma2 semaphore(%run_scoped3A : memref<!tpu.dma_semaphore, #tpu.memory_space<semaphore_mem>>) src(%dma_wait3A_29 : memref<128xi32, #tpu.memory_space<hbm>>) dst(%arg7 : memref<128xi32, #tpu.memory_space<vmem>>)
        tpu.yield
      }) : () -> ()
      "tpu.region"() ({
        %run_scoped3A = tpu.sem_alloc : memref<!tpu.dma_semaphore, #tpu.memory_space<semaphore_mem>>
        %dma_start3A_26 = tpu.memref_slice %arg4[%add3A_20] : memref<323584xi32, #tpu.memory_space<hbm>> -> memref<128xi32, #tpu.memory_space<hbm>>
        %dma_start3A_27 = tpu.memref_slice %arg4[%add3A_20] : memref<323584xi32, #tpu.memory_space<hbm>> -> memref<128xi32, #tpu.memory_space<hbm>>
        tpu.enqueue_dma source(%dma_start3A_27 : memref<128xi32, #tpu.memory_space<hbm>>) target(%arg8 : memref<128xi32, #tpu.memory_space<vmem>>) target_semaphore(%run_scoped3A : memref<!tpu.dma_semaphore, #tpu.memory_space<semaphore_mem>>)
        %dma_wait3A_28 = tpu.memref_slice %arg4[%add3A_20] : memref<323584xi32, #tpu.memory_space<hbm>> -> memref<128xi32, #tpu.memory_space<hbm>>
        %dma_wait3A_29 = tpu.memref_slice %arg4[%add3A_20] : memref<323584xi32, #tpu.memory_space<hbm>> -> memref<128xi32, #tpu.memory_space<hbm>>
        tpu.wait_dma2 semaphore(%run_scoped3A : memref<!tpu.dma_semaphore, #tpu.memory_space<semaphore_mem>>) src(%dma_wait3A_29 : memref<128xi32, #tpu.memory_space<hbm>>) dst(%arg8 : memref<128xi32, #tpu.memory_space<vmem>>)
        tpu.yield
      }) : () -> ()
      %dma_start3A = arith.constant 0 : i32
      %dma_start3A_21 = arith.constant 0 : i32
      %dma_start3A_22 = tpu.memref_slice %arg2[%dma_start3A, %dma_start3A_21] : memref<10240x64xf32, #tpu.memory_space<hbm>> -> memref<10240x64xf32, #tpu.memory_space<hbm>>
      tpu.enqueue_indirect_dma source(%dma_start3A_22 : memref<10240x64xf32, #tpu.memory_space<hbm>>) target(%arg9 : memref<128x64xf32, #tpu.memory_space<vmem>>) offsets(%arg7 : memref<128xi32, #tpu.memory_space<vmem>>) semaphore(%arg11 : memref<!tpu.dma_semaphore, #tpu.memory_space<semaphore_mem>>)
      %dma_wait3A = arith.constant 0 : i32
      %dma_wait3A_23 = arith.constant 0 : i32
      %dma_wait3A_24 = tpu.memref_slice %arg2[%dma_wait3A, %dma_wait3A_23] : memref<10240x64xf32, #tpu.memory_space<hbm>> -> memref<10240x64xf32, #tpu.memory_space<hbm>>
      tpu.wait_indirect_dma semaphore(%arg11 : memref<!tpu.dma_semaphore, #tpu.memory_space<semaphore_mem>>) src(%dma_wait3A_24 : memref<10240x64xf32, #tpu.memory_space<hbm>>) dst(%arg9 : memref<128x64xf32, #tpu.memory_space<vmem>>)
      "tpu.region"() ({
        %run_scoped3A = tpu.sem_alloc : memref<!tpu.dma_semaphore, #tpu.memory_space<semaphore_mem>>
        %dma_start3A_26 = arith.constant 0 : i32
        %dma_start3A_27 = arith.constant 0 : i32
        %dma_start3A_28 = tpu.memref_slice %arg10[%dma_start3A_26, %dma_start3A_27] : memref<10240x64xf32, #tpu.memory_space<vmem_shared>> -> memref<10240x64xf32, #tpu.memory_space<vmem_shared>>
        tpu.enqueue_indirect_dma source(%arg9 : memref<128x64xf32, #tpu.memory_space<vmem>>) target(%dma_start3A_28 : memref<10240x64xf32, #tpu.memory_space<vmem_shared>>) offsets(%arg8 : memref<128xi32, #tpu.memory_space<vmem>>) semaphore(%run_scoped3A : memref<!tpu.dma_semaphore, #tpu.memory_space<semaphore_mem>>) {add = true}
        %dma_wait3A_29 = arith.constant 0 : i32
        %dma_wait3A_30 = arith.constant 0 : i32
        %dma_wait3A_31 = tpu.memref_slice %arg10[%dma_wait3A_29, %dma_wait3A_30] : memref<10240x64xf32, #tpu.memory_space<vmem_shared>> -> memref<10240x64xf32, #tpu.memory_space<vmem_shared>>
        tpu.wait_indirect_dma semaphore(%run_scoped3A : memref<!tpu.dma_semaphore, #tpu.memory_space<semaphore_mem>>) src(%arg9 : memref<128x64xf32, #tpu.memory_space<vmem>>) dst(%dma_wait3A_31 : memref<10240x64xf32, #tpu.memory_space<vmem_shared>>)
        tpu.yield
      }) : () -> ()
      %scan3A_25 = arith.constant 0 : i32
      scf.yield %scan3A_25 : i32
    }
    %scan3A_8 = arith.constant 79 : i32
    %barrier3A_9 = arith.constant 0 : index
    tpu.barrier barrier_id(%barrier3A_9)
    %mul3A_10 = arith.constant 640 : i32
    %mul3A_11 = arith.muli %arg1, %mul3A_10 : i32
    %mul3A_12 = arith.constant 640 : i32
    %mul3A_13 = arith.muli %arg1, %mul3A_12 : i32
    "tpu.region"() ({
      %run_scoped3A = tpu.sem_alloc : memref<!tpu.dma_semaphore, #tpu.memory_space<semaphore_mem>>
      %dma_start3A = arith.constant 0 : i32
      %dma_start3A_14 = tpu.memref_slice %arg6[%arg0, %mul3A_13, %dma_start3A] : memref<2x10240x64xf32, #tpu.memory_space<hbm>> -> memref<1x640x64xf32, #tpu.memory_space<hbm>>
      %dma_start3A_15 = tpu.memref_squeeze %dma_start3A_14 : memref<1x640x64xf32, #tpu.memory_space<hbm>> -> memref<640x64xf32, #tpu.memory_space<hbm>>
      %dma_start3A_16 = arith.constant 0 : i32
      %dma_start3A_17 = tpu.memref_slice %arg10[%mul3A_11, %dma_start3A_16] : memref<10240x64xf32, #tpu.memory_space<vmem_shared>> -> memref<640x64xf32, #tpu.memory_space<vmem_shared>>
      tpu.enqueue_dma source(%dma_start3A_17 : memref<640x64xf32, #tpu.memory_space<vmem_shared>>) target(%dma_start3A_15 : memref<640x64xf32, #tpu.memory_space<hbm>>) target_semaphore(%run_scoped3A : memref<!tpu.dma_semaphore, #tpu.memory_space<semaphore_mem>>)
      %dma_wait3A = arith.constant 0 : i32
      %dma_wait3A_18 = tpu.memref_slice %arg6[%arg0, %mul3A_13, %dma_wait3A] : memref<2x10240x64xf32, #tpu.memory_space<hbm>> -> memref<1x640x64xf32, #tpu.memory_space<hbm>>
      %dma_wait3A_19 = tpu.memref_squeeze %dma_wait3A_18 : memref<1x640x64xf32, #tpu.memory_space<hbm>> -> memref<640x64xf32, #tpu.memory_space<hbm>>
      %dma_wait3A_20 = arith.constant 0 : i32
      %dma_wait3A_21 = tpu.memref_slice %arg10[%mul3A_11, %dma_wait3A_20] : memref<10240x64xf32, #tpu.memory_space<vmem_shared>> -> memref<640x64xf32, #tpu.memory_space<vmem_shared>>
      tpu.wait_dma2 semaphore(%run_scoped3A : memref<!tpu.dma_semaphore, #tpu.memory_space<semaphore_mem>>) src(%dma_wait3A_21 : memref<640x64xf32, #tpu.memory_space<vmem_shared>>) dst(%dma_wait3A_19 : memref<640x64xf32, #tpu.memory_space<hbm>>)
      tpu.yield
    }) : () -> ()
    return
  }
}

module attributes {stable_mosaic.version = 14 : i64} {
  func.func @_norm_body(%arg0: i32, %arg1: memref<1280x32xf32, #tpu.memory_space<vmem>>, %arg2: memref<1280x128xf32, #tpu.memory_space<vmem>>, %arg3: memref<1280x1xf32, #tpu.memory_space<vmem>>, %arg4: memref<1280x128xf32, #tpu.memory_space<vmem>>) attributes {dimension_semantics = [#tpu.dimension_semantics<arbitrary>], iteration_bounds = array<i64: 8>, scalar_prefetch = 0 : i64, scratch_operands = 0 : i64, tpu.core_type = #tpu.core_type<tc>, window_params = [{transform_indices = @transform_0, window_bounds = array<i64: 1280, 32>}, {transform_indices = @transform_1, window_bounds = array<i64: 1280, 128>}, {transform_indices = @transform_2, window_bounds = array<i64: 1280, 1>}, {transform_indices = @transform_3, window_bounds = array<i64: 1280, 128>}]} {
    %get3A = arith.constant 0 : index
    %get3A_0 = arith.constant 0 : index
    %get3A_1 = vector.load %arg1[%get3A, %get3A_0] : memref<1280x32xf32, #tpu.memory_space<vmem>>, vector<1280x32xf32>
    %reduce_sum3A = arith.constant dense<0.000000e+00> : vector<1280xf32>
    %reduce_sum3A_2 = vector.multi_reduction <add>, %get3A_1, %reduce_sum3A [1] : vector<1280x32xf32> to vector<1280xf32>
    %broadcast_in_dim3A = vector.shape_cast %reduce_sum3A_2 : vector<1280xf32> to vector<1280x1xf32>
    %add3A = arith.constant 1.000000e+00 : f32
    %add3A_3 = vector.broadcast %add3A : f32 to vector<1280x1xf32>
    %add3A_4 = arith.addf %broadcast_in_dim3A, %add3A_3 : vector<1280x1xf32>
    %rsqrt3A = math.rsqrt %add3A_4 : vector<1280x1xf32>
    %swap3A = arith.constant 0 : index
    %swap3A_5 = arith.constant 0 : index
    %swap3A_6 = vector.load %arg3[%swap3A, %swap3A_5] : memref<1280x1xf32, #tpu.memory_space<vmem>>, vector<1280x1xf32>
    tpu.vector_store %arg3[%swap3A, %swap3A_5], %rsqrt3A {strides = array<i32>} : memref<1280x1xf32, #tpu.memory_space<vmem>>, vector<1280x1xf32>,
    %get3A_7 = arith.constant 0 : index
    %get3A_8 = arith.constant 0 : index
    %get3A_9 = vector.load %arg2[%get3A_7, %get3A_8] : memref<1280x128xf32, #tpu.memory_space<vmem>>, vector<1280x128xf32>
    %mul3A = vector.broadcast %rsqrt3A : vector<1280x1xf32> to vector<1280x128xf32>
    %mul3A_10 = arith.mulf %get3A_9, %mul3A : vector<1280x128xf32>
    %swap3A_11 = arith.constant 0 : index
    %swap3A_12 = arith.constant 0 : index
    %swap3A_13 = vector.load %arg4[%swap3A_11, %swap3A_12] : memref<1280x128xf32, #tpu.memory_space<vmem>>, vector<1280x128xf32>
    tpu.vector_store %arg4[%swap3A_11, %swap3A_12], %mul3A_10 {strides = array<i32>} : memref<1280x128xf32, #tpu.memory_space<vmem>>, vector<1280x128xf32>,
    return
  }
  func.func @transform_0(%arg0: i32) -> (i32, i32) {
    %c0_i32 = arith.constant 0 : i32
    %c0_i32_0 = arith.constant 0 : i32
    return %arg0, %c0_i32 : i32, i32
  }
  func.func @transform_1(%arg0: i32) -> (i32, i32) {
    %c0_i32 = arith.constant 0 : i32
    %c0_i32_0 = arith.constant 0 : i32
    return %arg0, %c0_i32 : i32, i32
  }
  func.func @transform_2(%arg0: i32) -> (i32, i32) {
    %c0_i32 = arith.constant 0 : i32
    %c0_i32_0 = arith.constant 0 : i32
    return %arg0, %c0_i32 : i32, i32
  }
  func.func @transform_3(%arg0: i32) -> (i32, i32) {
    %c0_i32 = arith.constant 0 : i32
    %c0_i32_0 = arith.constant 0 : i32
    return %arg0, %c0_i32 : i32, i32
  }
}

module attributes {stable_mosaic.version = 14 : i64} {
  func.func @_mid_body(%arg0: i32, %arg1: memref<1280x1xf32, #tpu.memory_space<vmem>>, %arg2: memref<1280x128xf32, #tpu.memory_space<vmem>>, %arg3: memref<2x1280x128xf32, #tpu.memory_space<vmem>>, %arg4: memref<128x512xf32, #tpu.memory_space<vmem>>, %arg5: memref<1x512xf32, #tpu.memory_space<vmem>>, %arg6: memref<512x64xf32, #tpu.memory_space<vmem>>, %arg7: memref<1280x64xf32, #tpu.memory_space<vmem>>) attributes {dimension_semantics = [#tpu.dimension_semantics<arbitrary>], iteration_bounds = array<i64: 8>, scalar_prefetch = 0 : i64, scratch_operands = 0 : i64, tpu.core_type = #tpu.core_type<tc>, window_params = [{transform_indices = @transform_0, window_bounds = array<i64: 1280, 1>}, {transform_indices = @transform_1, window_bounds = array<i64: 1280, 128>}, {transform_indices = @transform_2, window_bounds = array<i64: 2, 1280, 128>}, {pipeline_mode = #tpu.pipeline_mode<synchronous>, transform_indices = @transform_3, window_bounds = array<i64: 128, 512>}, {pipeline_mode = #tpu.pipeline_mode<synchronous>, transform_indices = @transform_4, window_bounds = array<i64: 1, 512>}, {pipeline_mode = #tpu.pipeline_mode<synchronous>, transform_indices = @transform_5, window_bounds = array<i64: 512, 64>}, {transform_indices = @transform_6, window_bounds = array<i64: 1280, 64>}]} {
    %get3A = arith.constant 0 : index
    %get3A_0 = arith.constant 0 : index
    %get3A_1 = vector.load %arg1[%get3A, %get3A_0] : memref<1280x1xf32, #tpu.memory_space<vmem>>, vector<1280x1xf32>
    %get3A_2 = arith.constant 0 : index
    %get3A_3 = arith.constant 0 : index
    %get3A_4 = arith.constant 0 : index
    %get3A_5 = vector.load %arg3[%get3A_2, %get3A_3, %get3A_4] : memref<2x1280x128xf32, #tpu.memory_space<vmem>>, vector<1x1280x128xf32>
    %get3A_6 = vector.shape_cast %get3A_5 : vector<1x1280x128xf32> to vector<1280x128xf32>
    %get3A_7 = arith.constant 1 : index
    %get3A_8 = arith.constant 0 : index
    %get3A_9 = arith.constant 0 : index
    %get3A_10 = vector.load %arg3[%get3A_7, %get3A_8, %get3A_9] : memref<2x1280x128xf32, #tpu.memory_space<vmem>>, vector<1x1280x128xf32>
    %get3A_11 = vector.shape_cast %get3A_10 : vector<1x1280x128xf32> to vector<1280x128xf32>
    %add3A = arith.addf %get3A_6, %get3A_11 : vector<1280x128xf32>
    %get3A_12 = arith.constant 0 : index
    %get3A_13 = arith.constant 0 : index
    %get3A_14 = vector.load %arg2[%get3A_12, %get3A_13] : memref<1280x128xf32, #tpu.memory_space<vmem>>, vector<1280x128xf32>
    %add3A_15 = arith.addf %add3A, %get3A_14 : vector<1280x128xf32>
    %mul3A = vector.broadcast %get3A_1 : vector<1280x1xf32> to vector<1280x128xf32>
    %mul3A_16 = arith.mulf %add3A_15, %mul3A : vector<1280x128xf32>
    %get3A_17 = arith.constant 0 : index
    %get3A_18 = arith.constant 0 : index
    %get3A_19 = vector.load %arg4[%get3A_17, %get3A_18] : memref<128x512xf32, #tpu.memory_space<vmem>>, vector<128x512xf32>
    %dot_general3A = arith.constant dense<0.000000e+00> : vector<1280x512xf32>
    %dot_general3A_20 = tpu.matmul %mul3A_16, %get3A_19, %dot_general3A {dimension_numbers = #tpu.dot_dimension_numbers<[1], [0], [0], [1], [0, 0, 1, 1], [], []>, transpose_lhs_hint = false} : vector<1280x128xf32>, vector<128x512xf32>, vector<1280x512xf32> -> vector<1280x512xf32>
    %get3A_21 = arith.constant 0 : index
    %get3A_22 = arith.constant 0 : index
    %get3A_23 = vector.load %arg5[%get3A_21, %get3A_22] : memref<1x512xf32, #tpu.memory_space<vmem>>, vector<1x512xf32>
    %add3A_24 = vector.broadcast %get3A_23 : vector<1x512xf32> to vector<1280x512xf32>
    %add3A_25 = arith.addf %dot_general3A_20, %add3A_24 : vector<1280x512xf32>
    %max3A = arith.constant 0.000000e+00 : f32
    %max3A_26 = vector.broadcast %max3A : f32 to vector<1280x512xf32>
    %max3A_27 = arith.maximumf %add3A_25, %max3A_26 : vector<1280x512xf32>
    %get3A_28 = arith.constant 0 : index
    %get3A_29 = arith.constant 0 : index
    %get3A_30 = vector.load %arg6[%get3A_28, %get3A_29] : memref<512x64xf32, #tpu.memory_space<vmem>>, vector<512x64xf32>
    %dot_general3A_31 = arith.constant dense<0.000000e+00> : vector<1280x64xf32>
    %dot_general3A_32 = tpu.matmul %max3A_27, %get3A_30, %dot_general3A_31 {dimension_numbers = #tpu.dot_dimension_numbers<[1], [0], [0], [1], [0, 0, 1, 1], [], []>, transpose_lhs_hint = false} : vector<1280x512xf32>, vector<512x64xf32>, vector<1280x64xf32> -> vector<1280x64xf32>
    %mul3A_33 = vector.broadcast %get3A_1 : vector<1280x1xf32> to vector<1280x64xf32>
    %mul3A_34 = arith.mulf %dot_general3A_32, %mul3A_33 : vector<1280x64xf32>
    %swap3A = arith.constant 0 : index
    %swap3A_35 = arith.constant 0 : index
    %swap3A_36 = vector.load %arg7[%swap3A, %swap3A_35] : memref<1280x64xf32, #tpu.memory_space<vmem>>, vector<1280x64xf32>
    tpu.vector_store %arg7[%swap3A, %swap3A_35], %mul3A_34 {strides = array<i32>} : memref<1280x64xf32, #tpu.memory_space<vmem>>, vector<1280x64xf32>,
    return
  }
  func.func @transform_0(%arg0: i32) -> (i32, i32) {
    %c0_i32 = arith.constant 0 : i32
    %c0_i32_0 = arith.constant 0 : i32
    return %arg0, %c0_i32 : i32, i32
  }
  func.func @transform_1(%arg0: i32) -> (i32, i32) {
    %c0_i32 = arith.constant 0 : i32
    %c0_i32_0 = arith.constant 0 : i32
    return %arg0, %c0_i32 : i32, i32
  }
  func.func @transform_2(%arg0: i32) -> (i32, i32, i32) {
    %c0_i32 = arith.constant 0 : i32
    %c0_i32_0 = arith.constant 0 : i32
    %c0_i32_1 = arith.constant 0 : i32
    return %c0_i32, %arg0, %c0_i32_0 : i32, i32, i32
  }
  func.func @transform_3(%arg0: i32) -> (i32, i32) {
    %c0_i32 = arith.constant 0 : i32
    %c0_i32_0 = arith.constant 0 : i32
    %c0_i32_1 = arith.constant 0 : i32
    return %c0_i32, %c0_i32_0 : i32, i32
  }
  func.func @transform_4(%arg0: i32) -> (i32, i32) {
    %c0_i32 = arith.constant 0 : i32
    %c0_i32_0 = arith.constant 0 : i32
    %c0_i32_1 = arith.constant 0 : i32
    return %c0_i32, %c0_i32_0 : i32, i32
  }
  func.func @transform_5(%arg0: i32) -> (i32, i32) {
    %c0_i32 = arith.constant 0 : i32
    %c0_i32_0 = arith.constant 0 : i32
    %c0_i32_1 = arith.constant 0 : i32
    return %c0_i32, %c0_i32_0 : i32, i32
  }
  func.func @transform_6(%arg0: i32) -> (i32, i32) {
    %c0_i32 = arith.constant 0 : i32
    %c0_i32_0 = arith.constant 0 : i32
    return %arg0, %c0_i32 : i32, i32
  }
}

module attributes {stable_mosaic.version = 14 : i64} {
  func.func @_tail_body(%arg0: i32, %arg1: memref<1280x1xf32, #tpu.memory_space<vmem>>, %arg2: memref<1280x64xf32, #tpu.memory_space<vmem>>, %arg3: memref<2x1280x64xf32, #tpu.memory_space<vmem>>, %arg4: memref<1x64xf32, #tpu.memory_space<vmem>>, %arg5: memref<1280x1xi32, #tpu.memory_space<vmem>>, %arg6: memref<64x64xf32, #tpu.memory_space<vmem>>, %arg7: memref<64x64xf32, #tpu.memory_space<vmem>>, %arg8: memref<64x1xf32, #tpu.memory_space<vmem>>) attributes {dimension_semantics = [#tpu.dimension_semantics<arbitrary>], iteration_bounds = array<i64: 8>, scalar_prefetch = 0 : i64, scratch_operands = 2 : i64, tpu.core_type = #tpu.core_type<tc>, window_params = [{transform_indices = @transform_0, window_bounds = array<i64: 1280, 1>}, {transform_indices = @transform_1, window_bounds = array<i64: 1280, 64>}, {transform_indices = @transform_2, window_bounds = array<i64: 2, 1280, 64>}, {pipeline_mode = #tpu.pipeline_mode<synchronous>, transform_indices = @transform_3, window_bounds = array<i64: 1, 64>}, {transform_indices = @transform_4, window_bounds = array<i64: 1280, 1>}, {pipeline_mode = #tpu.pipeline_mode<synchronous>, transform_indices = @transform_5, window_bounds = array<i64: 64, 64>}]} {
    %eq3A = arith.constant 0 : i32
    %eq3A_0 = arith.cmpi eq, %arg0, %eq3A : i32
    %convert_element_type3A = arith.extui %eq3A_0 : i1 to i32
    %cond3A = arith.constant 0 : i32
    %cond3A_1 = arith.cmpi ne, %convert_element_type3A, %cond3A : i32
    scf.if %cond3A_1 {
      %broadcast_in_dim3A_55 = arith.constant 0.000000e+00 : f32
      %broadcast_in_dim3A_56 = vector.broadcast %broadcast_in_dim3A_55 : f32 to vector<64x64xf32>
      %swap3A_57 = arith.constant 0 : index
      %swap3A_58 = arith.constant 0 : index
      %swap3A_59 = vector.load %arg7[%swap3A_57, %swap3A_58] : memref<64x64xf32, #tpu.memory_space<vmem>>, vector<64x64xf32>
      tpu.vector_store %arg7[%swap3A_57, %swap3A_58], %broadcast_in_dim3A_56 {strides = array<i32>} : memref<64x64xf32, #tpu.memory_space<vmem>>, vector<64x64xf32>,
      %broadcast_in_dim3A_60 = arith.constant 0.000000e+00 : f32
      %broadcast_in_dim3A_61 = vector.broadcast %broadcast_in_dim3A_60 : f32 to vector<64x1xf32>
      %swap3A_62 = arith.constant 0 : index
      %swap3A_63 = arith.constant 0 : index
      %swap3A_64 = vector.load %arg8[%swap3A_62, %swap3A_63] : memref<64x1xf32, #tpu.memory_space<vmem>>, vector<64x1xf32>
      tpu.vector_store %arg8[%swap3A_62, %swap3A_63], %broadcast_in_dim3A_61 {strides = array<i32>} : memref<64x1xf32, #tpu.memory_space<vmem>>, vector<64x1xf32>,
    } else {
    }
    %get3A = arith.constant 0 : index
    %get3A_2 = arith.constant 0 : index
    %get3A_3 = arith.constant 0 : index
    %get3A_4 = vector.load %arg3[%get3A, %get3A_2, %get3A_3] : memref<2x1280x64xf32, #tpu.memory_space<vmem>>, vector<1x1280x64xf32>
    %get3A_5 = vector.shape_cast %get3A_4 : vector<1x1280x64xf32> to vector<1280x64xf32>
    %get3A_6 = arith.constant 1 : index
    %get3A_7 = arith.constant 0 : index
    %get3A_8 = arith.constant 0 : index
    %get3A_9 = vector.load %arg3[%get3A_6, %get3A_7, %get3A_8] : memref<2x1280x64xf32, #tpu.memory_space<vmem>>, vector<1x1280x64xf32>
    %get3A_10 = vector.shape_cast %get3A_9 : vector<1x1280x64xf32> to vector<1280x64xf32>
    %add3A = arith.addf %get3A_5, %get3A_10 : vector<1280x64xf32>
    %get3A_11 = arith.constant 0 : index
    %get3A_12 = arith.constant 0 : index
    %get3A_13 = vector.load %arg2[%get3A_11, %get3A_12] : memref<1280x64xf32, #tpu.memory_space<vmem>>, vector<1280x64xf32>
    %add3A_14 = arith.addf %add3A, %get3A_13 : vector<1280x64xf32>
    %get3A_15 = arith.constant 0 : index
    %get3A_16 = arith.constant 0 : index
    %get3A_17 = vector.load %arg1[%get3A_15, %get3A_16] : memref<1280x1xf32, #tpu.memory_space<vmem>>, vector<1280x1xf32>
    %mul3A = vector.broadcast %get3A_17 : vector<1280x1xf32> to vector<1280x64xf32>
    %mul3A_18 = arith.mulf %add3A_14, %mul3A : vector<1280x64xf32>
    %get3A_19 = arith.constant 0 : index
    %get3A_20 = arith.constant 0 : index
    %get3A_21 = vector.load %arg4[%get3A_19, %get3A_20] : memref<1x64xf32, #tpu.memory_space<vmem>>, vector<1x64xf32>
    %add3A_22 = vector.broadcast %get3A_21 : vector<1x64xf32> to vector<1280x64xf32>
    %add3A_23 = arith.addf %mul3A_18, %add3A_22 : vector<1280x64xf32>
    %max3A = arith.constant 0.000000e+00 : f32
    %max3A_24 = vector.broadcast %max3A : f32 to vector<1280x64xf32>
    %max3A_25 = arith.maximumf %add3A_23, %max3A_24 : vector<1280x64xf32>
    %get3A_26 = arith.constant 0 : index
    %get3A_27 = arith.constant 0 : index
    %get3A_28 = vector.load %arg5[%get3A_26, %get3A_27] : memref<1280x1xi32, #tpu.memory_space<vmem>>, vector<1280x1xi32>
    %iota3A = tpu.iota {dimensions = array<i32: 1>} : vector<1280x64xi32>
    %eq3A_29 = vector.broadcast %get3A_28 : vector<1280x1xi32> to vector<1280x64xi32>
    %eq3A_30 = arith.cmpi eq, %eq3A_29, %iota3A : vector<1280x64xi32>
    %convert_element_type3A_31 = arith.extui %eq3A_30 : vector<1280x64xi1> to vector<1280x64xi32>
    %convert_element_type3A_32 = arith.sitofp %convert_element_type3A_31 : vector<1280x64xi32> to vector<1280x64xf32>
    %get3A_33 = arith.constant 0 : index
    %get3A_34 = arith.constant 0 : index
    %get3A_35 = vector.load %arg7[%get3A_33, %get3A_34] : memref<64x64xf32, #tpu.memory_space<vmem>>, vector<64x64xf32>
    %dot_general3A = arith.constant dense<0.000000e+00> : vector<64x64xf32>
    %dot_general3A_36 = tpu.matmul %convert_element_type3A_32, %max3A_25, %dot_general3A {dimension_numbers = #tpu.dot_dimension_numbers<[0], [0], [1], [1], [0, 1, 1, 1], [], []>, transpose_lhs_hint = false} : vector<1280x64xf32>, vector<1280x64xf32>, vector<64x64xf32> -> vector<64x64xf32>
    %add3A_37 = arith.addf %get3A_35, %dot_general3A_36 : vector<64x64xf32>
    %swap3A = arith.constant 0 : index
    %swap3A_38 = arith.constant 0 : index
    %swap3A_39 = vector.load %arg7[%swap3A, %swap3A_38] : memref<64x64xf32, #tpu.memory_space<vmem>>, vector<64x64xf32>
    tpu.vector_store %arg7[%swap3A, %swap3A_38], %add3A_37 {strides = array<i32>} : memref<64x64xf32, #tpu.memory_space<vmem>>, vector<64x64xf32>,
    %broadcast_in_dim3A = arith.constant 1.000000e+00 : f32
    %broadcast_in_dim3A_40 = vector.broadcast %broadcast_in_dim3A : f32 to vector<1280x1xf32>
    %get3A_41 = arith.constant 0 : index
    %get3A_42 = arith.constant 0 : index
    %get3A_43 = vector.load %arg8[%get3A_41, %get3A_42] : memref<64x1xf32, #tpu.memory_space<vmem>>, vector<64x1xf32>
    %dot_general3A_44 = arith.constant dense<0.000000e+00> : vector<64x1xf32>
    %dot_general3A_45 = tpu.matmul %convert_element_type3A_32, %broadcast_in_dim3A_40, %dot_general3A_44 {dimension_numbers = #tpu.dot_dimension_numbers<[0], [0], [1], [1], [0, 1, 1, 1], [], []>, transpose_lhs_hint = false} : vector<1280x64xf32>, vector<1280x1xf32>, vector<64x1xf32> -> vector<64x1xf32>
    %add3A_46 = arith.addf %get3A_43, %dot_general3A_45 : vector<64x1xf32>
    %swap3A_47 = arith.constant 0 : index
    %swap3A_48 = arith.constant 0 : index
    %swap3A_49 = vector.load %arg8[%swap3A_47, %swap3A_48] : memref<64x1xf32, #tpu.memory_space<vmem>>, vector<64x1xf32>
    tpu.vector_store %arg8[%swap3A_47, %swap3A_48], %add3A_46 {strides = array<i32>} : memref<64x1xf32, #tpu.memory_space<vmem>>, vector<64x1xf32>,
    %eq3A_50 = arith.constant 7 : i32
    %eq3A_51 = arith.cmpi eq, %arg0, %eq3A_50 : i32
    %convert_element_type3A_52 = arith.extui %eq3A_51 : i1 to i32
    %cond3A_53 = arith.constant 0 : i32
    %cond3A_54 = arith.cmpi ne, %convert_element_type3A_52, %cond3A_53 : i32
    scf.if %cond3A_54 {
      %get3A_55 = arith.constant 0 : index
      %get3A_56 = arith.constant 0 : index
      %get3A_57 = vector.load %arg7[%get3A_55, %get3A_56] : memref<64x64xf32, #tpu.memory_space<vmem>>, vector<64x64xf32>
      %get3A_58 = arith.constant 0 : index
      %get3A_59 = arith.constant 0 : index
      %get3A_60 = vector.load %arg8[%get3A_58, %get3A_59] : memref<64x1xf32, #tpu.memory_space<vmem>>, vector<64x1xf32>
      %max3A_61 = arith.constant 1.000000e+00 : f32
      %max3A_62 = vector.broadcast %max3A_61 : f32 to vector<64x1xf32>
      %max3A_63 = arith.maximumf %get3A_60, %max3A_62 : vector<64x1xf32>
      %div3A = vector.broadcast %max3A_63 : vector<64x1xf32> to vector<64x64xf32>
      %div3A_64 = arith.divf %get3A_57, %div3A : vector<64x64xf32>
      %swap3A_65 = arith.constant 0 : index
      %swap3A_66 = arith.constant 0 : index
      %swap3A_67 = vector.load %arg6[%swap3A_65, %swap3A_66] : memref<64x64xf32, #tpu.memory_space<vmem>>, vector<64x64xf32>
      tpu.vector_store %arg6[%swap3A_65, %swap3A_66], %div3A_64 {strides = array<i32>} : memref<64x64xf32, #tpu.memory_space<vmem>>, vector<64x64xf32>,
    } else {
    }
    return
  }
  func.func @transform_0(%arg0: i32) -> (i32, i32) {
    %c0_i32 = arith.constant 0 : i32
    %c0_i32_0 = arith.constant 0 : i32
    return %arg0, %c0_i32 : i32, i32
  }
  func.func @transform_1(%arg0: i32) -> (i32, i32) {
    %c0_i32 = arith.constant 0 : i32
    %c0_i32_0 = arith.constant 0 : i32
    return %arg0, %c0_i32 : i32, i32
  }
  func.func @transform_2(%arg0: i32) -> (i32, i32, i32) {
    %c0_i32 = arith.constant 0 : i32
    %c0_i32_0 = arith.constant 0 : i32
    %c0_i32_1 = arith.constant 0 : i32
    return %c0_i32, %arg0, %c0_i32_0 : i32, i32, i32
  }
  func.func @transform_3(%arg0: i32) -> (i32, i32) {
    %c0_i32 = arith.constant 0 : i32
    %c0_i32_0 = arith.constant 0 : i32
    %c0_i32_1 = arith.constant 0 : i32
    return %c0_i32, %c0_i32_0 : i32, i32
  }
  func.func @transform_4(%arg0: i32) -> (i32, i32) {
    %c0_i32 = arith.constant 0 : i32
    %c0_i32_0 = arith.constant 0 : i32
    return %arg0, %c0_i32 : i32, i32
  }
  func.func @transform_5(%arg0: i32) -> (i32, i32) {
    %c0_i32 = arith.constant 0 : i32
    %c0_i32_0 = arith.constant 0 : i32
    %c0_i32_1 = arith.constant 0 : i32
    return %c0_i32, %c0_i32_0 : i32, i32
  }
}

</mosaic_0001>

<sc_bundles>
// kernel: kernel.11.cloned.1.call-start
scs
__scs_entry_jumppad:
0x0: {  	(pc) =	sbr.rel $0x88, $3  }
0x1: {  	(tag) =	ssettag $0x0;
	lr =	simm.s32 $0x1  }
0x2: {  	[smem:$0x3F9A] =	sst lr;
	_ =	strace $0xD0000000  }
0x3: {  	_ = 	snop  }
0x4: {  	_ = 	snop  }
0x5: {  	_ = 	snop  }
0x6: {  	_ = 	snop  }
0x7: {  	_ = 	snop  }
__scs_overlays_trampoline_lowered:
0x8: {  	[smem:$0x3FA9] =	sst s0  }
0x9: {  	[smem:$0x3FAA] =	sst s1  }
0xa: {  	[smem:$0x3FAB] =	sst s2  }
0xb: {  	[smem:$0x3FAC] =	sst s3  }
0xc: {  	[smem:$0x3FAD] =	sst s4  }
0xd: {  	[smem:$0x3FAE] =	sst s5  }
0xe: {  	[smem:$0x3FAF] =	sst s6  }
0xf: {  	[smem:$0x3FB0] =	sst s7  }
0x10: {  	[smem:$0x3FB1] =	sst s8  }
0x11: {  	[smem:$0x3FB2] =	sst s9;
	s0 =	simm.s32 @!p0 $0x0  }
0x12: {  	s1 =	sld [smem:$0x3F98];
	s0 =	simm.s32 @p0 $0x1  }
0x13: {  	[smem:$0x3FB3] =	sst s0;
	s0 =	simm.s32 @!p1 $0x0  }
0x14: {  	s2 =	sld [smem:$0x3F97];
	s0 =	simm.s32 @p1 $0x1  }
0x15: {  	[smem:$0x3FB4] =	sst s0;
	s0 =	simm.s32 @!p2 $0x0  }
0x16: {  	s3 =	sld [smem:$0x3FDB];
	s0 =	simm.s32 @p2 $0x1  }
0x17: {  	s4 =	simm.s32 $0x1BF5;
	[smem:$0x3FB6] =	sst s0  }
0x18: {  	s0 =	sld [smem:$0x3F99];
	_ =	swait.ge [sflag:s4], $0x0  }
0x19: {  	s7 =	sld [smem:$0x3F9A]  }
0x1a: {  	s8 =	sadd.s32 $0xFFFFE003, lr  }
0x1b: {  	s9 =	sadd.s32 $0xFFFFFEF7, lr;
	s5 =	simm.s32 $0xFFFFFFFF;
	p2 =	slt.u32 s8, $0xFFFFF086  }
0x1c: {  	p1 =	slt.u32 s9, $0xF7A;
	s5 =	simm.s32 @!p2 $0x0  }
0x1d: {  	s5 =	simm.s32 @p1 $0x1;
	p0 =	seq.s32 s7, s2  }
0x1e: {  	s7 =	smul.u32 @!p0 $0xF7A, s2;
	p2 =	seq.s32 @!p0 s5, $0x0  }
0x1f: {  	s9 =	smul.u32 $0xF7A, s1;
	s8 =	simm.s32 @!p0 $0x1BF5;
	p2 =	por !p2, p0  }
0x20: {  	[sflag:s8] =	ssyncset.s32 @!p0 $0xFFFFF086;
	s6 =	sadd.s32 @!p0 s3, s7;
	s7 =	simm.s32 @!p0 $0x108  }
0x21: {  	s3 =	sadd.s32 s3, s9;
	s6 =	sadd.s32 @!p0 $0x88, s6;
	s7 =	simm.s32 @p2 $0x1082  }
0x22: {  	[simem:s7], [sflag:s8] =	dma.local @!p0 [hbm:s6], $0xF7A  }
0x23: {  	s9 =	sor.u32 $0xD0000000, s2;
	s6 =	simm.s32 $0x108;
	_ =	swait.ge @!p0 [sflag:s8], $0x0  }
0x24: {  	s3 =	sadd.s32 $0x88, s3;
	s6 =	simm.s32 @!p1 $0x1082;
	[sflag:s4] =	ssyncset.s32 $0xFFFFF086  }
0x25: {  	[simem:s6], [sflag:s4] =	dma.local [hbm:s3], $0xF7A  }
0x26: {  	[smem:$0x3F9A] =	sst s1;
	(tag) =	ssettag s2;
	_ =	strace s9  }
0x27: {  	s1 =	sld [smem:$0x3FAA]  }
0x28: {  	s2 =	sld [smem:$0x3FAB]  }
0x29: {  	s4 =	sld [smem:$0x3FAD]  }
0x2a: {  	p0 =	seq.s32 s5, $0x0;
	s5 =	sld [smem:$0x3FAE]  }
0x2b: {  	s6 =	sld [smem:$0x3FAF]  }
0x2c: {  	s7 =	sld [smem:$0x3FB0]  }
0x2d: {  	s3 =	simm.s32 $0x108;
	s8 =	sld [smem:$0x3FB1]  }
0x2e: {  	s3 =	simm.s32 @!p0 $0x1082;
	s9 =	sld [smem:$0x3FB2]  }
0x2f: {  	lr =	sadd.s32 s0, s3;
	s0 =	sld [smem:$0x3FA9]  }
0x30: {  	s3 =	sld [smem:$0x3FAC]  }
0x31: {  	[smem:$0x3FB5] =	sst s10  }
0x32: {  	s10 =	sld [smem:$0x3FB3];
	_ =	sdelay $0x3  }
0x33: {  	p0 =	seq.s32 s10, $0x1;
	s10 =	sld [smem:$0x3FB5];
	_ =	sdelay $0x3  }
0x34: {  	[smem:$0x3FB5] =	sst s10  }
0x35: {  	s10 =	sld [smem:$0x3FB4];
	_ =	sdelay $0x3  }
0x36: {  	p1 =	seq.s32 s10, $0x1;
	s10 =	sld [smem:$0x3FB5];
	_ =	sdelay $0x3  }
0x37: {  	[smem:$0x3FB5] =	sst s10  }
0x38: {  	s10 =	sld [smem:$0x3FB6]  }
0x39: {  	_ = 	snop;
	(pc) =	sbr.ind lr, $3  }
0x3a: {  	_ = 	snop  }
0x3b: {  	_ = 	snop  }
0x3c: {  	p2 =	seq.s32 s10, $0x1;
	s10 =	sld [smem:$0x3FB5]  }
0x3d: {  	_ =	shalt  }
0x3e: {  	_ =	shalt  }
0x3f: {  	_ =	shalt  }
0x40: {  	_ =	shalt  }
0x41: {  	_ =	shalt  }
0x42: {  	_ =	shalt  }
0x43: {  	_ =	shalt  }
0x44: {  	_ =	shalt  }
0x45: {  	_ =	shalt  }
0x46: {  	_ =	shalt  }
0x47: {  	_ =	shalt  }
0x48: {  	_ =	shalt  }
0x49: {  	_ =	shalt  }
0x4a: {  	_ =	shalt  }
0x4b: {  	_ =	shalt  }
0x4c: {  	_ =	shalt  }
0x4d: {  	_ =	shalt  }
0x4e: {  	_ =	shalt  }
0x4f: {  	_ =	shalt  }
0x50: {  	_ =	shalt  }
0x51: {  	_ =	shalt  }
0x52: {  	_ =	shalt  }
0x53: {  	_ =	shalt  }
0x54: {  	_ =	shalt  }
0x55: {  	_ =	shalt  }
0x56: {  	_ =	shalt  }
0x57: {  	_ =	shalt  }
0x58: {  	_ =	shalt  }
0x59: {  	_ =	shalt  }
0x5a: {  	_ =	shalt  }
0x5b: {  	_ =	shalt  }
0x5c: {  	_ =	shalt  }
0x5d: {  	_ =	shalt  }
0x5e: {  	_ =	shalt  }
0x5f: {  	_ =	shalt  }
0x60: {  	_ =	shalt  }
0x61: {  	_ =	shalt  }
0x62: {  	_ =	shalt  }
0x63: {  	_ =	shalt  }
0x64: {  	_ =	shalt  }
0x65: {  	_ =	shalt  }
0x66: {  	_ =	shalt  }
0x67: {  	_ =	shalt  }
0x68: {  	_ =	shalt  }
0x69: {  	_ =	shalt  }
0x6a: {  	_ =	shalt  }
0x6b: {  	_ =	shalt  }
0x6c: {  	_ =	shalt  }
0x6d: {  	_ =	shalt  }
0x6e: {  	_ =	shalt  }
0x6f: {  	_ =	shalt  }
0x70: {  	_ =	shalt  }
0x71: {  	_ =	shalt  }
0x72: {  	_ =	shalt  }
0x73: {  	_ =	shalt  }
0x74: {  	_ =	shalt  }
0x75: {  	_ =	shalt  }
0x76: {  	_ =	shalt  }
0x77: {  	_ =	shalt  }
0x78: {  	_ =	shalt  }
0x79: {  	_ =	shalt  }
0x7a: {  	_ =	shalt  }
0x7b: {  	_ =	shalt  }
0x7c: {  	_ =	shalt  }
0x7d: {  	_ =	shalt  }
0x7e: {  	_ =	shalt  }
0x7f: {  	_ =	shalt  }
0x80: {  	_ =	shalt  }
0x81: {  	_ =	shalt  }
0x82: {  	_ =	shalt  }
0x83: {  	_ =	shalt  }
0x84: {  	_ =	shalt  }
0x85: {  	_ =	shalt  }
0x86: {  	_ =	shalt  }
0x87: {  	_ =	shalt  }
.Lfunc_end0:
.L_simem_size_0:
called_computation.1_lowered:
.L_overlay_start_0:
0x88: {  	s2 =	sld [smem:$0x3FD9]  }
0x89: {  	s3 =	sld [smem:$0x3FFE];
	_ =	sdelay $0x1  }
0x8a: {  	s1 =	srdreg.scid  }
0x8b: {  	s0 =	sand.u32 $0x1, s1  }
0x8c: {  	s16 =	sshll.u32 s0, $0xA;
	s2 =	sadd.s32 s3, s2  }
0x8d: {  	s2 =	sadd.s32 s2, s16  }
0x8e: {  	[smem:$0x3FC1] =	sst s2  }
0x8f: {  	_ = 	snop  }
0x90: {  	(tm) =	ssettm $0x1  }
0x91: {  	s17 =	sld [smem:$0x3FFB];
	_ =	sdelay $0x3  }
0x92: {  	_ =	strace s17  }
0x93: {  	s2 =	sld [smem:$0x3FFC];
	_ =	sdelay $0x3  }
0x94: {  	_ =	strace s2  }
0x95: {  	s2 =	sld [smem:$0x3FFD];
	_ =	sdelay $0x3  }
0x96: {  	_ =	strace s2  }
0x97: {  	_ =	strace $0x8FFFFFFF  }
0x98: {  	s18 =	sld [smem:$0x3FDB];
	_ =	sdelay $0x1  }
0x99: {  	s19 =	simm.s32 $_scs_section_size  }
0x9a: {  	s4 =	simm.s32 $_size__tile_overlayer_lowered;
	s5 =	simm.s32 $_tile_overlayer_lowered  }
0x9b: {  	s22 =	simm.s32 $0x1BFF;
	s21 =	sshll.u32 s5, $0x1;
	s2 =	sadd.s32 s19, s18  }
0x9c: {  	s6 =	simm.s32 $0x0;
	s20 =	sshll.u32 s4, $0x1;
	s4 =	sadd.s32 s21, s2  }
0x9d: {  	[timem:s6], [sflag:s22] =	dma.local [hbm:s4], s20  }
0x9e: {  	_ =	swait.ge [sflag:s22], s20  }
0x9f: {  	s3 =	ssub.s32 $0x0, s20;
	[sflag:s22] =	ssyncset.done $0x0  }
0xa0: {  	[sflag:s22] =	ssyncadd.s32 s3;
	_ =	sdelay $0x1  }
0xa1: {  	s23 =	simm.s32 $0x1B8B  }
0xa2: {  	_ =	swait.ge [sflag:s23], $0x1  }
0xa3: {  	[sflag:s23] =	ssyncset.done $0x0  }
0xa4: {  	s25 =	simm.s32 $0x1B8E;
	s24 =	sld [smem:$0x3FFE];
	[sflag:s23] =	ssyncadd.s32 $0xFFFFFFFF  }
0xa5: {  	s26 =	simm.s32 $execute0_lowered;
	[smem:$0x3FD2] =	sst s25  }
0xa6: {  	s4 =	sshll.u32 s26, $0x1;
	_ =	strace $0x80000049;
	[dreg:$0x1] =	wrdreg $0xFFFFFFFF  }
0xa7: {  	s28 =	simm.s32 $_size_execute0_lowered;
	s2 =	sadd.s32 s2, s4;
	[dreg:$0x0] =	wrdreg $0x0  }
0xa8: {  	s4 =	sshll.u32 s28, $0x1;
	[dreg:$0x2] =	wrdreg s2  }
0xa9: {  	[dreg:$0x3] =	wrdreg s4  }
0xaa: {  	[dreg:$0x4] =	wrdreg $0xC0  }
0xab: {  	_ =	task [dreg:s6], $0x5FFFF  }
0xac: {  	[dreg:$0x1] =	wrdreg $0xFFFFFFFF  }
0xad: {  	[dreg:$0x0] =	wrdreg $0x60  }
0xae: {  	[dreg:$0x2] =	wrdreg s24  }
0xaf: {  	[dreg:$0x3] =	wrdreg $0x41000  }
0xb0: {  	[dreg:$0x4] =	wrdreg $0x9  }
0xb1: {  	_ =	task.clear_ibuf [dreg:s6], $0x5FFFF;
	_ =	strace $0x90000049  }
0xb2: {  	s29 =	simm.s32 $0x9;
	_ =	strace $0x8000004B  }
0xb3: {  	_ =	swait.ge [sflag:s29], $0x1  }
0xb4: {  	[sflag:s29] =	ssyncadd.s32 $0xFFFFFFFF  }
0xb5: {  	_ =	strace $0x9000004B  }
0xb6: {  	_ =	sfence  }
0xb7: {  	s30 =	sld [smem:$0x0];
	_ =	sdelay $0x2  }
0xb8: {  	s31 =	sshll.u32 s1, $0xD;
	s1 =	sshrl.u32 s1, $0x2  }
0xb9: {  	s3 =	sand.u32 $0x4000, s31;
	s1 =	sadd.s32 s1, s30  }
0xba: {  	s0 =	sor.u32 s3, s0;
	s1 =	sshll.u32 s1, $0x11  }
0xbb: {  	s0 =	sor.u32 s1, s0  }
0xbc: {  	s0 =	sadd.s32 $0x8F2B, s0  }
0xbd: {  	[sflag:s0] =	ssyncadd.remote.s32 $0x1  }
0xbe: {  	_ =	sfence.sel $0xFFFF  }
0xbf: {  	[dreg:$0x0] =	wrdreg $0xFFFFFFFF;
	(pc) =	sbr.abs _section_cstart, $3  }
0xc0: {  	[dreg:$0x1] =	wrdreg $0xFFFFFFFF  }
0xc1: {  	_ =	task.clear_ibuf [dreg:s6], $0x2FFFF;
	_ =	strace $0x9FFFFFFF  }
0xc2: {  	(tm) =	ssettm $0x7FFFFFFF  }
0xc3: {  	_ =	shalt  }
tec
execute0_lowered:
.L_overlay_start_1:
0x0: {  	(tag) =	ssettag $0x1  }
0x1: {  	s1 =	srdreg.scid;
	s6 =	rddreg [dreg:$0x0]  }
0x2: {  	s0 =	stileid.u32;
	s2 =	rddreg [dreg:$0x1]  }
0x3: {  	s3 =	simm.s32 $0x0;
	s12 =	simm.s32 $0x2;
	s13 =	simm.s32 $0x80  }
0x4: {  	s14 =	simm.s32 $0x100;
	s15 =	simm.s32 $0x1;
	s4 =	smul.u32 $0x4F00, s0  }
0x5: {  	s5 =	sand.u32 $0x1, s1;
	s1 =	rddreg [dreg:$0x2];
	s8 =	smul.u32 $0x14000, s0  }
0x6: {  	s16 =	simm.s32 $0x0;
	[smem:$0x7FF] =	sst s3;
	s7 =	smul.u32 $0x2780, s5  }
0x7: {  	s30 =	sshll.u32 s0, $0x6;
	s9 =	smul.u32 $0x140000, s5;
	s29 =	ssub.s32 $0x2, s5  }
0x8: {  	_ =	strace $0x8000004A;
	s5 =	sadd.s32 $0xC000, s6;
	s11 =	sshrl.u32 s29, $0x1  }
0x9: {  	s31 =	sadd.s32 s8, s2;
	s7 =	sadd.s32 s7, s4;
	s4 =	sadd.s32 $0x20400, s6  }
0xa: {  	s28 =	sadd.s32 s8, s9;
	s9 =	ssub.s32 s29, s11;
	s7 =	sshrl.u32 s7, $0x3  }
0xb: {  	s11 =	sshrl.u32 s31, $0x3;
	s10 =	sadd.s32 s7, s6;
	s7 =	sshrl.u32 s28, $0x3  }
0xc: {  	s8 =	smax.u32 s9, $0x1;
	s7 =	sadd.s32 s7, s6;
	s6 =	sor.u32 $0x1C02, s30  }
0xd: {  	s9 =	sadd.s32 $0x2200, s10;
	s10 =	sadd.s32 $0x16600, s10;
	s7 =	sadd.s32 $0x48400, s7  }
.LBB2_1:
0xe: {  	[spmem:s11], [sflag:s6] =	dma.local [hbm:s5], $0x2800  }
0xf: {  	_ =	swait.ge [sflag:s12], $0x2800  }
0x10: {  	[sflag:s12] =	ssyncset.done $0x0  }
0x11: {  	[sflag:s12] =	ssyncadd.s32 $0xFFFFD800  }
0x12: {  	s17 =	sadd.s32 $0x0, s10;
	[bflag:$0x0] =	sbarrier.arrive $0xFFFF  }
0x13: {  	[tilespmem:s3], [sflag:$0x2] =	stream.linear.gather [hbm4b:s17+s3], $0x80, $0x38;
	[tilespmem:$0x18100] =	vst v63  }
0x14: {  	_ =	swait.ge [sflag:s12], $0x80  }
0x15: {  	[sflag:s12] =	ssyncset.done $0x0  }
0x16: {  	s31 =	sadd.s32 $0x0, s9;
	[sflag:s12] =	ssyncadd.s32 $0xFFFFFF80  }
0x17: {  	[tilespmem:s13], [sflag:$0x2] =	stream.linear.gather [hbm4b:s31+s3], $0x80, $0x38;
	[tilespmem:$0x18100] =	vst v63  }
0x18: {  	_ =	swait.ge [sflag:s12], $0x80  }
0x19: {  	[sflag:s12] =	ssyncset.done $0x0  }
0x1a: {  	[sflag:s12] =	ssyncadd.s32 $0xFFFFFF80  }
0x1b: {  	[tilespmem:s14], [sflag:$0x1] =	stream.indirect.gather [hbm4b:s4+s13], $0x80, s3, s13, $0xb8;
	[tilespmem:$0x18100] =	vst v63  }
0x1c: {  	_ =	swait.ge [sflag:s15], $0x4000  }
0x1d: {  	[sflag:s15] =	ssyncset.done $0x0  }
0x1e: {  	[sflag:s15] =	ssyncadd.s32 $0xFFFFC000  }
0x1f: {  	[spmem:s2] =	stream.indirect.scatter.add.f32 [tilespmem:s14], [sflag:$0x2], $0x80, s13, s13, $0xb8;
	[tilespmem:$0x18100] =	vst v63  }
0x20: {  	_ =	swait.ge [sflag:s12], $0x4000  }
0x21: {  	s18 =	simm.s32 $0x20;
	s17 =	simm.s32 $0x10;
	[sflag:s12] =	ssyncset.done $0x0  }
.LBB2_2:
0x22: {  	s19 =	sadd.s32 s17, s10  }
0x23: {  	[sflag:s12] =	ssyncadd.s32 $0xFFFFC000;
	s20 =	smov.u32 s18;
	s21 =	sadd.s32 $0x10, s18  }
0x24: {  	[tilespmem:s3], [sflag:$0x2] =	stream.linear.gather [hbm4b:s19+s3], $0x80, $0x38;
	[tilespmem:$0x18100] =	vst v63  }
0x25: {  	p0 =	sne.s32 s18, $0x4E0;
	_ =	swait.ge [sflag:s12], $0x80  }
0x26: {  	[sflag:s12] =	ssyncset.done $0x0  }
0x27: {  	s18 =	sadd.s32 s17, s9;
	s17 =	smov.u32 s20;
	[sflag:s12] =	ssyncadd.s32 $0xFFFFFF80  }
0x28: {  	[tilespmem:s13], [sflag:$0x2] =	stream.linear.gather [hbm4b:s18+s3], $0x80, $0x38;
	[tilespmem:$0x18100] =	vst v63  }
0x29: {  	_ =	swait.ge [sflag:s12], $0x80  }
0x2a: {  	[sflag:s12] =	ssyncset.done $0x0  }
0x2b: {  	[sflag:s12] =	ssyncadd.s32 $0xFFFFFF80  }
0x2c: {  	[tilespmem:s14], [sflag:$0x1] =	stream.indirect.gather [hbm4b:s4+s13], $0x80, s3, s13, $0xb8;
	[tilespmem:$0x18100] =	vst v63  }
0x2d: {  	_ =	swait.ge [sflag:s15], $0x4000  }
.Ltmp0:
0x2e: {  	[sflag:s15] =	ssyncset.done $0x0;
	(pc) =	sbr.rel @p0 .LBB2_2-.Ltmp0, $4  }
0x2f: {  	[sflag:s15] =	ssyncadd.s32 $0xFFFFC000  }
0x30: {  	[spmem:s2] =	stream.indirect.scatter.add.f32 [tilespmem:s14], [sflag:$0x2], $0x80, s13, s13, $0xb8;
	[tilespmem:$0x18100] =	vst v63  }
0x31: {  	_ =	swait.ge [sflag:s12], $0x4000  }
0x32: {  	s18 =	smov.u32 s21;
	[sflag:s12] =	ssyncset.done $0x0  }
0x33: {  	s18 =	sadd.s32 s17, s10;
	[sflag:s12] =	ssyncadd.s32 $0xFFFFC000  }
0x34: {  	[tilespmem:s3], [sflag:$0x2] =	stream.linear.gather [hbm4b:s18+s3], $0x80, $0x38;
	[tilespmem:$0x18100] =	vst v63  }
0x35: {  	_ =	swait.ge [sflag:s12], $0x80  }
0x36: {  	[sflag:s12] =	ssyncset.done $0x0  }
0x37: {  	s31 =	sadd.s32 s17, s9;
	[sflag:s12] =	ssyncadd.s32 $0xFFFFFF80  }
0x38: {  	[tilespmem:s13], [sflag:$0x2] =	stream.linear.gather [hbm4b:s31+s3], $0x80, $0x38;
	[tilespmem:$0x18100] =	vst v63  }
0x39: {  	_ =	swait.ge [sflag:s12], $0x80  }
0x3a: {  	[sflag:s12] =	ssyncset.done $0x0  }
0x3b: {  	[sflag:s12] =	ssyncadd.s32 $0xFFFFFF80  }
0x3c: {  	[tilespmem:s14], [sflag:$0x1] =	stream.indirect.gather [hbm4b:s4+s13], $0x80, s3, s13, $0xb8;
	[tilespmem:$0x18100] =	vst v63  }
0x3d: {  	_ =	swait.ge [sflag:s15], $0x4000  }
0x3e: {  	[sflag:s15] =	ssyncset.done $0x0  }
0x3f: {  	[sflag:s15] =	ssyncadd.s32 $0xFFFFC000  }
0x40: {  	[spmem:s2] =	stream.indirect.scatter.add.f32 [tilespmem:s14], [sflag:$0x2], $0x80, s13, s13, $0xb8;
	[tilespmem:$0x18100] =	vst v63  }
0x41: {  	_ =	swait.ge [sflag:s12], $0x4000  }
0x42: {  	s16 =	sadd.s32 $0x1, s16;
	[sflag:s12] =	ssyncset.done $0x0  }
0x43: {  	p0 =	sne.s32 s16, s8;
	[sflag:s12] =	ssyncadd.s32 $0xFFFFC000  }
.Ltmp1:
0x44: {  	[bflag:$0x0] =	sbarrier.arrive $0xFFFF;
	(pc) =	sbr.rel @p0 .LBB2_1-.Ltmp1, $4  }
0x45: {  	[hbm:s7], [sflag:s6] =	dma.local [spmem:s11], $0x2800  }
0x46: {  	_ =	swait.ge [sflag:s12], $0x2800  }
0x47: {  	[sflag:s12] =	ssyncset.done $0x0  }
0x48: {  	[sflag:s12] =	ssyncadd.s32 $0xFFFFD800  }
0x49: {  	_ =	sfence.sel $0x180000  }
0x4a: {  	[bflag:$0x0] =	sbarrier.arrive $0xFFFF  }
0x4b: {  	p0 =	sne.s32 s0, $0x0;
	_ =	strace $0x9000004A  }
0x4c: {  	s0 =	sadd.s32 @!p0 $0x100000, s1;
	[bflag:$0x2] =	sbarrier.arrive $0xFFFF  }
0x4d: {  	[sflag:s0] =	ssyncadd.tile.s32 @!p0 $0x1;
	_ =	shalt  }
.Lfunc_end2:
_tile_overlayer_lowered:
.L_overlay_start_2:
0x4e: {  	(tag) =	ssettag $0x2  }
0x4f: {  	s0 =	rddreg [dreg:$0x0];
	s2 =	stileid.u32  }
0x50: {  	s1 =	rddreg [dreg:$0x1];
	p0 =	sne.s32 s2, $0x0  }
0x51: {  	s3 =	rddreg [dreg:$0x2];
	[bflag:$0x3] =	sbarrier.arrive $0xFFFF;
	s2 =	simm.s32 @!p0 $0x1C02  }
0x52: {  	[timem:s3], [sflag:s2] =	dma.local @!p0 [hbm:s0], s1  }
0x53: {  	s0 =	simm.s32 @!p0 $0x2  }
0x54: {  	_ =	swait.ge @!p0 [sflag:s0], s1  }
0x55: {  	s1 =	ssub.s32 @!p0 $0x0, s1;
	[sflag:s0] =	ssyncset.done @!p0 $0x0  }
0x56: {  	[sflag:s0] =	ssyncadd.s32 @!p0 s1  }
0x57: {  	[bflag:$0x3] =	sbarrier.arrive $0xFFFF  }
0x58: {  	_ =	shalt  }

// kernel: kernel.14.cloned.1.call-start
scs
__scs_entry_jumppad:
0x0: {  	(pc) =	sbr.rel $0x88, $3  }
0x1: {  	(tag) =	ssettag $0x0;
	lr =	simm.s32 $0x1  }
0x2: {  	[smem:$0x3F9A] =	sst lr;
	_ =	strace $0xD0000000  }
0x3: {  	_ = 	snop  }
0x4: {  	_ = 	snop  }
0x5: {  	_ = 	snop  }
0x6: {  	_ = 	snop  }
0x7: {  	_ = 	snop  }
__scs_overlays_trampoline_lowered:
0x8: {  	[smem:$0x3FA9] =	sst s0  }
0x9: {  	[smem:$0x3FAA] =	sst s1  }
0xa: {  	[smem:$0x3FAB] =	sst s2  }
0xb: {  	[smem:$0x3FAC] =	sst s3  }
0xc: {  	[smem:$0x3FAD] =	sst s4  }
0xd: {  	[smem:$0x3FAE] =	sst s5  }
0xe: {  	[smem:$0x3FAF] =	sst s6  }
0xf: {  	[smem:$0x3FB0] =	sst s7  }
0x10: {  	[smem:$0x3FB1] =	sst s8  }
0x11: {  	[smem:$0x3FB2] =	sst s9;
	s0 =	simm.s32 @!p0 $0x0  }
0x12: {  	s1 =	sld [smem:$0x3F98];
	s0 =	simm.s32 @p0 $0x1  }
0x13: {  	[smem:$0x3FB3] =	sst s0;
	s0 =	simm.s32 @!p1 $0x0  }
0x14: {  	s2 =	sld [smem:$0x3F97];
	s0 =	simm.s32 @p1 $0x1  }
0x15: {  	[smem:$0x3FB4] =	sst s0;
	s0 =	simm.s32 @!p2 $0x0  }
0x16: {  	s3 =	sld [smem:$0x3FDB];
	s0 =	simm.s32 @p2 $0x1  }
0x17: {  	s4 =	simm.s32 $0x1BF5;
	[smem:$0x3FB6] =	sst s0  }
0x18: {  	s0 =	sld [smem:$0x3F99];
	_ =	swait.ge [sflag:s4], $0x0  }
0x19: {  	s7 =	sld [smem:$0x3F9A]  }
0x1a: {  	s8 =	sadd.s32 $0xFFFFE003, lr  }
0x1b: {  	s9 =	sadd.s32 $0xFFFFFEF7, lr;
	s5 =	simm.s32 $0xFFFFFFFF;
	p2 =	slt.u32 s8, $0xFFFFF086  }
0x1c: {  	p1 =	slt.u32 s9, $0xF7A;
	s5 =	simm.s32 @!p2 $0x0  }
0x1d: {  	s5 =	simm.s32 @p1 $0x1;
	p0 =	seq.s32 s7, s2  }
0x1e: {  	s7 =	smul.u32 @!p0 $0xF7A, s2;
	p2 =	seq.s32 @!p0 s5, $0x0  }
0x1f: {  	s9 =	smul.u32 $0xF7A, s1;
	s8 =	simm.s32 @!p0 $0x1BF5;
	p2 =	por !p2, p0  }
0x20: {  	[sflag:s8] =	ssyncset.s32 @!p0 $0xFFFFF086;
	s6 =	sadd.s32 @!p0 s3, s7;
	s7 =	simm.s32 @!p0 $0x108  }
0x21: {  	s3 =	sadd.s32 s3, s9;
	s6 =	sadd.s32 @!p0 $0x88, s6;
	s7 =	simm.s32 @p2 $0x1082  }
0x22: {  	[simem:s7], [sflag:s8] =	dma.local @!p0 [hbm:s6], $0xF7A  }
0x23: {  	s9 =	sor.u32 $0xD0000000, s2;
	s6 =	simm.s32 $0x108;
	_ =	swait.ge @!p0 [sflag:s8], $0x0  }
0x24: {  	s3 =	sadd.s32 $0x88, s3;
	s6 =	simm.s32 @!p1 $0x1082;
	[sflag:s4] =	ssyncset.s32 $0xFFFFF086  }
0x25: {  	[simem:s6], [sflag:s4] =	dma.local [hbm:s3], $0xF7A  }
0x26: {  	[smem:$0x3F9A] =	sst s1;
	(tag) =	ssettag s2;
	_ =	strace s9  }
0x27: {  	s1 =	sld [smem:$0x3FAA]  }
0x28: {  	s2 =	sld [smem:$0x3FAB]  }
0x29: {  	s4 =	sld [smem:$0x3FAD]  }
0x2a: {  	p0 =	seq.s32 s5, $0x0;
	s5 =	sld [smem:$0x3FAE]  }
0x2b: {  	s6 =	sld [smem:$0x3FAF]  }
0x2c: {  	s7 =	sld [smem:$0x3FB0]  }
0x2d: {  	s3 =	simm.s32 $0x108;
	s8 =	sld [smem:$0x3FB1]  }
0x2e: {  	s3 =	simm.s32 @!p0 $0x1082;
	s9 =	sld [smem:$0x3FB2]  }
0x2f: {  	lr =	sadd.s32 s0, s3;
	s0 =	sld [smem:$0x3FA9]  }
0x30: {  	s3 =	sld [smem:$0x3FAC]  }
0x31: {  	[smem:$0x3FB5] =	sst s10  }
0x32: {  	s10 =	sld [smem:$0x3FB3];
	_ =	sdelay $0x3  }
0x33: {  	p0 =	seq.s32 s10, $0x1;
	s10 =	sld [smem:$0x3FB5];
	_ =	sdelay $0x3  }
0x34: {  	[smem:$0x3FB5] =	sst s10  }
0x35: {  	s10 =	sld [smem:$0x3FB4];
	_ =	sdelay $0x3  }
0x36: {  	p1 =	seq.s32 s10, $0x1;
	s10 =	sld [smem:$0x3FB5];
	_ =	sdelay $0x3  }
0x37: {  	[smem:$0x3FB5] =	sst s10  }
0x38: {  	s10 =	sld [smem:$0x3FB6]  }
0x39: {  	_ = 	snop;
	(pc) =	sbr.ind lr, $3  }
0x3a: {  	_ = 	snop  }
0x3b: {  	_ = 	snop  }
0x3c: {  	p2 =	seq.s32 s10, $0x1;
	s10 =	sld [smem:$0x3FB5]  }
0x3d: {  	_ =	shalt  }
0x3e: {  	_ =	shalt  }
0x3f: {  	_ =	shalt  }
0x40: {  	_ =	shalt  }
0x41: {  	_ =	shalt  }
0x42: {  	_ =	shalt  }
0x43: {  	_ =	shalt  }
0x44: {  	_ =	shalt  }
0x45: {  	_ =	shalt  }
0x46: {  	_ =	shalt  }
0x47: {  	_ =	shalt  }
0x48: {  	_ =	shalt  }
0x49: {  	_ =	shalt  }
0x4a: {  	_ =	shalt  }
0x4b: {  	_ =	shalt  }
0x4c: {  	_ =	shalt  }
0x4d: {  	_ =	shalt  }
0x4e: {  	_ =	shalt  }
0x4f: {  	_ =	shalt  }
0x50: {  	_ =	shalt  }
0x51: {  	_ =	shalt  }
0x52: {  	_ =	shalt  }
0x53: {  	_ =	shalt  }
0x54: {  	_ =	shalt  }
0x55: {  	_ =	shalt  }
0x56: {  	_ =	shalt  }
0x57: {  	_ =	shalt  }
0x58: {  	_ =	shalt  }
0x59: {  	_ =	shalt  }
0x5a: {  	_ =	shalt  }
0x5b: {  	_ =	shalt  }
0x5c: {  	_ =	shalt  }
0x5d: {  	_ =	shalt  }
0x5e: {  	_ =	shalt  }
0x5f: {  	_ =	shalt  }
0x60: {  	_ =	shalt  }
0x61: {  	_ =	shalt  }
0x62: {  	_ =	shalt  }
0x63: {  	_ =	shalt  }
0x64: {  	_ =	shalt  }
0x65: {  	_ =	shalt  }
0x66: {  	_ =	shalt  }
0x67: {  	_ =	shalt  }
0x68: {  	_ =	shalt  }
0x69: {  	_ =	shalt  }
0x6a: {  	_ =	shalt  }
0x6b: {  	_ =	shalt  }
0x6c: {  	_ =	shalt  }
0x6d: {  	_ =	shalt  }
0x6e: {  	_ =	shalt  }
0x6f: {  	_ =	shalt  }
0x70: {  	_ =	shalt  }
0x71: {  	_ =	shalt  }
0x72: {  	_ =	shalt  }
0x73: {  	_ =	shalt  }
0x74: {  	_ =	shalt  }
0x75: {  	_ =	shalt  }
0x76: {  	_ =	shalt  }
0x77: {  	_ =	shalt  }
0x78: {  	_ =	shalt  }
0x79: {  	_ =	shalt  }
0x7a: {  	_ =	shalt  }
0x7b: {  	_ =	shalt  }
0x7c: {  	_ =	shalt  }
0x7d: {  	_ =	shalt  }
0x7e: {  	_ =	shalt  }
0x7f: {  	_ =	shalt  }
0x80: {  	_ =	shalt  }
0x81: {  	_ =	shalt  }
0x82: {  	_ =	shalt  }
0x83: {  	_ =	shalt  }
0x84: {  	_ =	shalt  }
0x85: {  	_ =	shalt  }
0x86: {  	_ =	shalt  }
0x87: {  	_ =	shalt  }
.Lfunc_end0:
.L_simem_size_0:
called_computation.2_lowered:
.L_overlay_start_0:
0x88: {  	s2 =	sld [smem:$0x3FD9]  }
0x89: {  	s3 =	sld [smem:$0x3FFE];
	_ =	sdelay $0x1  }
0x8a: {  	s1 =	srdreg.scid  }
0x8b: {  	s0 =	sand.u32 $0x1, s1  }
0x8c: {  	s16 =	sshll.u32 s0, $0xA;
	s2 =	sadd.s32 s3, s2  }
0x8d: {  	s2 =	sadd.s32 s2, s16  }
0x8e: {  	[smem:$0x3FC1] =	sst s2  }
0x8f: {  	_ = 	snop  }
0x90: {  	(tm) =	ssettm $0x1  }
0x91: {  	s17 =	sld [smem:$0x3FFB];
	_ =	sdelay $0x3  }
0x92: {  	_ =	strace s17  }
0x93: {  	s2 =	sld [smem:$0x3FFC];
	_ =	sdelay $0x3  }
0x94: {  	_ =	strace s2  }
0x95: {  	s2 =	sld [smem:$0x3FFD];
	_ =	sdelay $0x3  }
0x96: {  	_ =	strace s2  }
0x97: {  	_ =	strace $0x8FFFFFFF  }
0x98: {  	s18 =	sld [smem:$0x3FDB];
	_ =	sdelay $0x1  }
0x99: {  	s19 =	simm.s32 $_scs_section_size  }
0x9a: {  	s4 =	simm.s32 $_size__tile_overlayer_lowered;
	s5 =	simm.s32 $_tile_overlayer_lowered  }
0x9b: {  	s22 =	simm.s32 $0x1BFF;
	s21 =	sshll.u32 s5, $0x1;
	s2 =	sadd.s32 s19, s18  }
0x9c: {  	s6 =	simm.s32 $0x0;
	s20 =	sshll.u32 s4, $0x1;
	s4 =	sadd.s32 s21, s2  }
0x9d: {  	[timem:s6], [sflag:s22] =	dma.local [hbm:s4], s20  }
0x9e: {  	_ =	swait.ge [sflag:s22], s20  }
0x9f: {  	s3 =	ssub.s32 $0x0, s20;
	[sflag:s22] =	ssyncset.done $0x0  }
0xa0: {  	[sflag:s22] =	ssyncadd.s32 s3;
	_ =	sdelay $0x1  }
0xa1: {  	s23 =	simm.s32 $0x1B8B  }
0xa2: {  	_ =	swait.ge [sflag:s23], $0x1  }
0xa3: {  	[sflag:s23] =	ssyncset.done $0x0  }
0xa4: {  	s25 =	simm.s32 $0x1B8E;
	s24 =	sld [smem:$0x3FFE];
	[sflag:s23] =	ssyncadd.s32 $0xFFFFFFFF  }
0xa5: {  	s26 =	simm.s32 $execute0_lowered;
	[smem:$0x3FD2] =	sst s25  }
0xa6: {  	s4 =	sshll.u32 s26, $0x1;
	_ =	strace $0x8000004C;
	[dreg:$0x1] =	wrdreg $0xFFFFFFFF  }
0xa7: {  	s28 =	simm.s32 $_size_execute0_lowered;
	s2 =	sadd.s32 s2, s4;
	[dreg:$0x0] =	wrdreg $0x0  }
0xa8: {  	s4 =	sshll.u32 s28, $0x1;
	[dreg:$0x2] =	wrdreg s2  }
0xa9: {  	[dreg:$0x3] =	wrdreg s4  }
0xaa: {  	[dreg:$0x4] =	wrdreg $0xC0  }
0xab: {  	_ =	task [dreg:s6], $0x5FFFF  }
0xac: {  	[dreg:$0x1] =	wrdreg $0xFFFFFFFF  }
0xad: {  	[dreg:$0x0] =	wrdreg $0x60  }
0xae: {  	[dreg:$0x2] =	wrdreg s24  }
0xaf: {  	[dreg:$0x3] =	wrdreg $0x21000  }
0xb0: {  	[dreg:$0x4] =	wrdreg $0x9  }
0xb1: {  	_ =	task.clear_ibuf [dreg:s6], $0x5FFFF;
	_ =	strace $0x9000004C  }
0xb2: {  	s29 =	simm.s32 $0x9;
	_ =	strace $0x8000004E  }
0xb3: {  	_ =	swait.ge [sflag:s29], $0x1  }
0xb4: {  	[sflag:s29] =	ssyncadd.s32 $0xFFFFFFFF  }
0xb5: {  	_ =	strace $0x9000004E  }
0xb6: {  	_ =	sfence  }
0xb7: {  	s30 =	sld [smem:$0x0];
	_ =	sdelay $0x2  }
0xb8: {  	s31 =	sshll.u32 s1, $0xD;
	s1 =	sshrl.u32 s1, $0x2  }
0xb9: {  	s3 =	sand.u32 $0x4000, s31;
	s1 =	sadd.s32 s1, s30  }
0xba: {  	s0 =	sor.u32 s3, s0;
	s1 =	sshll.u32 s1, $0x11  }
0xbb: {  	s0 =	sor.u32 s1, s0  }
0xbc: {  	s0 =	sadd.s32 $0x8F2B, s0  }
0xbd: {  	[sflag:s0] =	ssyncadd.remote.s32 $0x1  }
0xbe: {  	_ =	sfence.sel $0xFFFF  }
0xbf: {  	[dreg:$0x0] =	wrdreg $0xFFFFFFFF;
	(pc) =	sbr.abs _section_cstart, $3  }
0xc0: {  	[dreg:$0x1] =	wrdreg $0xFFFFFFFF  }
0xc1: {  	_ =	task.clear_ibuf [dreg:s6], $0x2FFFF;
	_ =	strace $0x9FFFFFFF  }
0xc2: {  	(tm) =	ssettm $0x7FFFFFFF  }
0xc3: {  	_ =	shalt  }
tec
execute0_lowered:
.L_overlay_start_1:
0x0: {  	(tag) =	ssettag $0x1  }
0x1: {  	s1 =	srdreg.scid;
	s6 =	rddreg [dreg:$0x0]  }
0x2: {  	s0 =	stileid.u32;
	s2 =	rddreg [dreg:$0x1]  }
0x3: {  	s3 =	simm.s32 $0x0;
	s12 =	simm.s32 $0x2;
	s13 =	simm.s32 $0x80  }
0x4: {  	s14 =	simm.s32 $0x100;
	s15 =	simm.s32 $0x1;
	s4 =	smul.u32 $0x4F00, s0  }
0x5: {  	s5 =	sand.u32 $0x1, s1;
	s1 =	rddreg [dreg:$0x2];
	s8 =	smul.u32 $0xA000, s0  }
0x6: {  	s16 =	simm.s32 $0x0;
	[smem:$0x7FF] =	sst s3;
	s7 =	smul.u32 $0x2780, s5  }
0x7: {  	s30 =	sshll.u32 s0, $0x6;
	s9 =	smul.u32 $0xA0000, s5;
	s29 =	ssub.s32 $0x2, s5  }
0x8: {  	_ =	strace $0x8000004D;
	s5 =	sadd.s32 $0xC000, s6;
	s11 =	sshrl.u32 s29, $0x1  }
0x9: {  	s31 =	sadd.s32 s8, s2;
	s7 =	sadd.s32 s7, s4;
	s4 =	sadd.s32 $0x20400, s6  }
0xa: {  	s28 =	sadd.s32 s8, s9;
	s9 =	ssub.s32 s29, s11;
	s7 =	sshrl.u32 s7, $0x3  }
0xb: {  	s11 =	sshrl.u32 s31, $0x3;
	s10 =	sadd.s32 s7, s6;
	s7 =	sshrl.u32 s28, $0x3  }
0xc: {  	s8 =	smax.u32 s9, $0x1;
	s7 =	sadd.s32 s7, s6;
	s6 =	sor.u32 $0x1C02, s30  }
0xd: {  	s9 =	sadd.s32 $0x2200, s10;
	s10 =	sadd.s32 $0x16600, s10;
	s7 =	sadd.s32 $0x34400, s7  }
.LBB2_1:
0xe: {  	[spmem:s11], [sflag:s6] =	dma.local [hbm:s5], $0x1400  }
0xf: {  	_ =	swait.ge [sflag:s12], $0x1400  }
0x10: {  	[sflag:s12] =	ssyncset.done $0x0  }
0x11: {  	[sflag:s12] =	ssyncadd.s32 $0xFFFFEC00  }
0x12: {  	s17 =	sadd.s32 $0x0, s10;
	[bflag:$0x0] =	sbarrier.arrive $0xFFFF  }
0x13: {  	[tilespmem:s3], [sflag:$0x2] =	stream.linear.gather [hbm4b:s17+s3], $0x80, $0x38;
	[tilespmem:$0xC100] =	vst v63  }
0x14: {  	_ =	swait.ge [sflag:s12], $0x80  }
0x15: {  	[sflag:s12] =	ssyncset.done $0x0  }
0x16: {  	s31 =	sadd.s32 $0x0, s9;
	[sflag:s12] =	ssyncadd.s32 $0xFFFFFF80  }
0x17: {  	[tilespmem:s13], [sflag:$0x2] =	stream.linear.gather [hbm4b:s31+s3], $0x80, $0x38;
	[tilespmem:$0xC100] =	vst v63  }
0x18: {  	_ =	swait.ge [sflag:s12], $0x80  }
0x19: {  	[sflag:s12] =	ssyncset.done $0x0  }
0x1a: {  	[sflag:s12] =	ssyncadd.s32 $0xFFFFFF80  }
0x1b: {  	[tilespmem:s14], [sflag:$0x1] =	stream.indirect.gather [hbm4b:s4+s13], $0x40, s3, s13, $0xb8;
	[tilespmem:$0xC100] =	vst v63  }
0x1c: {  	_ =	swait.ge [sflag:s15], $0x2000  }
0x1d: {  	[sflag:s15] =	ssyncset.done $0x0  }
0x1e: {  	[sflag:s15] =	ssyncadd.s32 $0xFFFFE000  }
0x1f: {  	[spmem:s2] =	stream.indirect.scatter.add.f32 [tilespmem:s14], [sflag:$0x2], $0x40, s13, s13, $0xb8;
	[tilespmem:$0xC100] =	vst v63  }
0x20: {  	_ =	swait.ge [sflag:s12], $0x2000  }
0x21: {  	s18 =	simm.s32 $0x20;
	s17 =	simm.s32 $0x10;
	[sflag:s12] =	ssyncset.done $0x0  }
.LBB2_2:
0x22: {  	s19 =	sadd.s32 s17, s10  }
0x23: {  	[sflag:s12] =	ssyncadd.s32 $0xFFFFE000;
	s20 =	smov.u32 s18;
	s21 =	sadd.s32 $0x10, s18  }
0x24: {  	[tilespmem:s3], [sflag:$0x2] =	stream.linear.gather [hbm4b:s19+s3], $0x80, $0x38;
	[tilespmem:$0xC100] =	vst v63  }
0x25: {  	p0 =	sne.s32 s18, $0x4E0;
	_ =	swait.ge [sflag:s12], $0x80  }
0x26: {  	[sflag:s12] =	ssyncset.done $0x0  }
0x27: {  	s18 =	sadd.s32 s17, s9;
	s17 =	smov.u32 s20;
	[sflag:s12] =	ssyncadd.s32 $0xFFFFFF80  }
0x28: {  	[tilespmem:s13], [sflag:$0x2] =	stream.linear.gather [hbm4b:s18+s3], $0x80, $0x38;
	[tilespmem:$0xC100] =	vst v63  }
0x29: {  	_ =	swait.ge [sflag:s12], $0x80  }
0x2a: {  	[sflag:s12] =	ssyncset.done $0x0  }
0x2b: {  	[sflag:s12] =	ssyncadd.s32 $0xFFFFFF80  }
0x2c: {  	[tilespmem:s14], [sflag:$0x1] =	stream.indirect.gather [hbm4b:s4+s13], $0x40, s3, s13, $0xb8;
	[tilespmem:$0xC100] =	vst v63  }
0x2d: {  	_ =	swait.ge [sflag:s15], $0x2000  }
.Ltmp0:
0x2e: {  	[sflag:s15] =	ssyncset.done $0x0;
	(pc) =	sbr.rel @p0 .LBB2_2-.Ltmp0, $4  }
0x2f: {  	[sflag:s15] =	ssyncadd.s32 $0xFFFFE000  }
0x30: {  	[spmem:s2] =	stream.indirect.scatter.add.f32 [tilespmem:s14], [sflag:$0x2], $0x40, s13, s13, $0xb8;
	[tilespmem:$0xC100] =	vst v63  }
0x31: {  	_ =	swait.ge [sflag:s12], $0x2000  }
0x32: {  	s18 =	smov.u32 s21;
	[sflag:s12] =	ssyncset.done $0x0  }
0x33: {  	s18 =	sadd.s32 s17, s10;
	[sflag:s12] =	ssyncadd.s32 $0xFFFFE000  }
0x34: {  	[tilespmem:s3], [sflag:$0x2] =	stream.linear.gather [hbm4b:s18+s3], $0x80, $0x38;
	[tilespmem:$0xC100] =	vst v63  }
0x35: {  	_ =	swait.ge [sflag:s12], $0x80  }
0x36: {  	[sflag:s12] =	ssyncset.done $0x0  }
0x37: {  	s31 =	sadd.s32 s17, s9;
	[sflag:s12] =	ssyncadd.s32 $0xFFFFFF80  }
0x38: {  	[tilespmem:s13], [sflag:$0x2] =	stream.linear.gather [hbm4b:s31+s3], $0x80, $0x38;
	[tilespmem:$0xC100] =	vst v63  }
0x39: {  	_ =	swait.ge [sflag:s12], $0x80  }
0x3a: {  	[sflag:s12] =	ssyncset.done $0x0  }
0x3b: {  	[sflag:s12] =	ssyncadd.s32 $0xFFFFFF80  }
0x3c: {  	[tilespmem:s14], [sflag:$0x1] =	stream.indirect.gather [hbm4b:s4+s13], $0x40, s3, s13, $0xb8;
	[tilespmem:$0xC100] =	vst v63  }
0x3d: {  	_ =	swait.ge [sflag:s15], $0x2000  }
0x3e: {  	[sflag:s15] =	ssyncset.done $0x0  }
0x3f: {  	[sflag:s15] =	ssyncadd.s32 $0xFFFFE000  }
0x40: {  	[spmem:s2] =	stream.indirect.scatter.add.f32 [tilespmem:s14], [sflag:$0x2], $0x40, s13, s13, $0xb8;
	[tilespmem:$0xC100] =	vst v63  }
0x41: {  	_ =	swait.ge [sflag:s12], $0x2000  }
0x42: {  	s16 =	sadd.s32 $0x1, s16;
	[sflag:s12] =	ssyncset.done $0x0  }
0x43: {  	p0 =	sne.s32 s16, s8;
	[sflag:s12] =	ssyncadd.s32 $0xFFFFE000  }
.Ltmp1:
0x44: {  	[bflag:$0x0] =	sbarrier.arrive $0xFFFF;
	(pc) =	sbr.rel @p0 .LBB2_1-.Ltmp1, $4  }
0x45: {  	[hbm:s7], [sflag:s6] =	dma.local [spmem:s11], $0x1400  }
0x46: {  	_ =	swait.ge [sflag:s12], $0x1400  }
0x47: {  	[sflag:s12] =	ssyncset.done $0x0  }
0x48: {  	[sflag:s12] =	ssyncadd.s32 $0xFFFFEC00  }
0x49: {  	_ =	sfence.sel $0x180000  }
0x4a: {  	[bflag:$0x0] =	sbarrier.arrive $0xFFFF  }
0x4b: {  	p0 =	sne.s32 s0, $0x0;
	_ =	strace $0x9000004D  }
0x4c: {  	s0 =	sadd.s32 @!p0 $0x100000, s1;
	[bflag:$0x2] =	sbarrier.arrive $0xFFFF  }
0x4d: {  	[sflag:s0] =	ssyncadd.tile.s32 @!p0 $0x1;
	_ =	shalt  }
.Lfunc_end2:
_tile_overlayer_lowered:
.L_overlay_start_2:
0x4e: {  	(tag) =	ssettag $0x2  }
0x4f: {  	s0 =	rddreg [dreg:$0x0];
	s2 =	stileid.u32  }
0x50: {  	s1 =	rddreg [dreg:$0x1];
	p0 =	sne.s32 s2, $0x0  }
0x51: {  	s3 =	rddreg [dreg:$0x2];
	[bflag:$0x3] =	sbarrier.arrive $0xFFFF;
	s2 =	simm.s32 @!p0 $0x1C02  }
0x52: {  	[timem:s3], [sflag:s2] =	dma.local @!p0 [hbm:s0], s1  }
0x53: {  	s0 =	simm.s32 @!p0 $0x2  }
0x54: {  	_ =	swait.ge @!p0 [sflag:s0], s1  }
0x55: {  	s1 =	ssub.s32 @!p0 $0x0, s1;
	[sflag:s0] =	ssyncset.done @!p0 $0x0  }
0x56: {  	[sflag:s0] =	ssyncadd.s32 @!p0 s1  }
0x57: {  	[bflag:$0x3] =	sbarrier.arrive $0xFFFF  }
0x58: {  	_ =	shalt  }

// kernel: kernel.8.cloned.1.call-start
scs
__scs_entry_jumppad:
0x0: {  	(pc) =	sbr.rel $0x88, $3  }
0x1: {  	(tag) =	ssettag $0x0;
	lr =	simm.s32 $0x1  }
0x2: {  	[smem:$0x3F9A] =	sst lr;
	_ =	strace $0xD0000000  }
0x3: {  	_ = 	snop  }
0x4: {  	_ = 	snop  }
0x5: {  	_ = 	snop  }
0x6: {  	_ = 	snop  }
0x7: {  	_ = 	snop  }
__scs_overlays_trampoline_lowered:
0x8: {  	[smem:$0x3FA9] =	sst s0  }
0x9: {  	[smem:$0x3FAA] =	sst s1  }
0xa: {  	[smem:$0x3FAB] =	sst s2  }
0xb: {  	[smem:$0x3FAC] =	sst s3  }
0xc: {  	[smem:$0x3FAD] =	sst s4  }
0xd: {  	[smem:$0x3FAE] =	sst s5  }
0xe: {  	[smem:$0x3FAF] =	sst s6  }
0xf: {  	[smem:$0x3FB0] =	sst s7  }
0x10: {  	[smem:$0x3FB1] =	sst s8  }
0x11: {  	[smem:$0x3FB2] =	sst s9;
	s0 =	simm.s32 @!p0 $0x0  }
0x12: {  	s1 =	sld [smem:$0x3F98];
	s0 =	simm.s32 @p0 $0x1  }
0x13: {  	[smem:$0x3FB3] =	sst s0;
	s0 =	simm.s32 @!p1 $0x0  }
0x14: {  	s2 =	sld [smem:$0x3F97];
	s0 =	simm.s32 @p1 $0x1  }
0x15: {  	[smem:$0x3FB4] =	sst s0;
	s0 =	simm.s32 @!p2 $0x0  }
0x16: {  	s3 =	sld [smem:$0x3FDB];
	s0 =	simm.s32 @p2 $0x1  }
0x17: {  	s4 =	simm.s32 $0x1BF5;
	[smem:$0x3FB6] =	sst s0  }
0x18: {  	s0 =	sld [smem:$0x3F99];
	_ =	swait.ge [sflag:s4], $0x0  }
0x19: {  	s7 =	sld [smem:$0x3F9A]  }
0x1a: {  	s8 =	sadd.s32 $0xFFFFE003, lr  }
0x1b: {  	s9 =	sadd.s32 $0xFFFFFEF7, lr;
	s5 =	simm.s32 $0xFFFFFFFF;
	p2 =	slt.u32 s8, $0xFFFFF086  }
0x1c: {  	p1 =	slt.u32 s9, $0xF7A;
	s5 =	simm.s32 @!p2 $0x0  }
0x1d: {  	s5 =	simm.s32 @p1 $0x1;
	p0 =	seq.s32 s7, s2  }
0x1e: {  	s7 =	smul.u32 @!p0 $0xF7A, s2;
	p2 =	seq.s32 @!p0 s5, $0x0  }
0x1f: {  	s9 =	smul.u32 $0xF7A, s1;
	s8 =	simm.s32 @!p0 $0x1BF5;
	p2 =	por !p2, p0  }
0x20: {  	[sflag:s8] =	ssyncset.s32 @!p0 $0xFFFFF086;
	s6 =	sadd.s32 @!p0 s3, s7;
	s7 =	simm.s32 @!p0 $0x108  }
0x21: {  	s3 =	sadd.s32 s3, s9;
	s6 =	sadd.s32 @!p0 $0x88, s6;
	s7 =	simm.s32 @p2 $0x1082  }
0x22: {  	[simem:s7], [sflag:s8] =	dma.local @!p0 [hbm:s6], $0xF7A  }
0x23: {  	s9 =	sor.u32 $0xD0000000, s2;
	s6 =	simm.s32 $0x108;
	_ =	swait.ge @!p0 [sflag:s8], $0x0  }
0x24: {  	s3 =	sadd.s32 $0x88, s3;
	s6 =	simm.s32 @!p1 $0x1082;
	[sflag:s4] =	ssyncset.s32 $0xFFFFF086  }
0x25: {  	[simem:s6], [sflag:s4] =	dma.local [hbm:s3], $0xF7A  }
0x26: {  	[smem:$0x3F9A] =	sst s1;
	(tag) =	ssettag s2;
	_ =	strace s9  }
0x27: {  	s1 =	sld [smem:$0x3FAA]  }
0x28: {  	s2 =	sld [smem:$0x3FAB]  }
0x29: {  	s4 =	sld [smem:$0x3FAD]  }
0x2a: {  	p0 =	seq.s32 s5, $0x0;
	s5 =	sld [smem:$0x3FAE]  }
0x2b: {  	s6 =	sld [smem:$0x3FAF]  }
0x2c: {  	s7 =	sld [smem:$0x3FB0]  }
0x2d: {  	s3 =	simm.s32 $0x108;
	s8 =	sld [smem:$0x3FB1]  }
0x2e: {  	s3 =	simm.s32 @!p0 $0x1082;
	s9 =	sld [smem:$0x3FB2]  }
0x2f: {  	lr =	sadd.s32 s0, s3;
	s0 =	sld [smem:$0x3FA9]  }
0x30: {  	s3 =	sld [smem:$0x3FAC]  }
0x31: {  	[smem:$0x3FB5] =	sst s10  }
0x32: {  	s10 =	sld [smem:$0x3FB3];
	_ =	sdelay $0x3  }
0x33: {  	p0 =	seq.s32 s10, $0x1;
	s10 =	sld [smem:$0x3FB5];
	_ =	sdelay $0x3  }
0x34: {  	[smem:$0x3FB5] =	sst s10  }
0x35: {  	s10 =	sld [smem:$0x3FB4];
	_ =	sdelay $0x3  }
0x36: {  	p1 =	seq.s32 s10, $0x1;
	s10 =	sld [smem:$0x3FB5];
	_ =	sdelay $0x3  }
0x37: {  	[smem:$0x3FB5] =	sst s10  }
0x38: {  	s10 =	sld [smem:$0x3FB6]  }
0x39: {  	_ = 	snop;
	(pc) =	sbr.ind lr, $3  }
0x3a: {  	_ = 	snop  }
0x3b: {  	_ = 	snop  }
0x3c: {  	p2 =	seq.s32 s10, $0x1;
	s10 =	sld [smem:$0x3FB5]  }
0x3d: {  	_ =	shalt  }
0x3e: {  	_ =	shalt  }
0x3f: {  	_ =	shalt  }
0x40: {  	_ =	shalt  }
0x41: {  	_ =	shalt  }
0x42: {  	_ =	shalt  }
0x43: {  	_ =	shalt  }
0x44: {  	_ =	shalt  }
0x45: {  	_ =	shalt  }
0x46: {  	_ =	shalt  }
0x47: {  	_ =	shalt  }
0x48: {  	_ =	shalt  }
0x49: {  	_ =	shalt  }
0x4a: {  	_ =	shalt  }
0x4b: {  	_ =	shalt  }
0x4c: {  	_ =	shalt  }
0x4d: {  	_ =	shalt  }
0x4e: {  	_ =	shalt  }
0x4f: {  	_ =	shalt  }
0x50: {  	_ =	shalt  }
0x51: {  	_ =	shalt  }
0x52: {  	_ =	shalt  }
0x53: {  	_ =	shalt  }
0x54: {  	_ =	shalt  }
0x55: {  	_ =	shalt  }
0x56: {  	_ =	shalt  }
0x57: {  	_ =	shalt  }
0x58: {  	_ =	shalt  }
0x59: {  	_ =	shalt  }
0x5a: {  	_ =	shalt  }
0x5b: {  	_ =	shalt  }
0x5c: {  	_ =	shalt  }
0x5d: {  	_ =	shalt  }
0x5e: {  	_ =	shalt  }
0x5f: {  	_ =	shalt  }
0x60: {  	_ =	shalt  }
0x61: {  	_ =	shalt  }
0x62: {  	_ =	shalt  }
0x63: {  	_ =	shalt  }
0x64: {  	_ =	shalt  }
0x65: {  	_ =	shalt  }
0x66: {  	_ =	shalt  }
0x67: {  	_ =	shalt  }
0x68: {  	_ =	shalt  }
0x69: {  	_ =	shalt  }
0x6a: {  	_ =	shalt  }
0x6b: {  	_ =	shalt  }
0x6c: {  	_ =	shalt  }
0x6d: {  	_ =	shalt  }
0x6e: {  	_ =	shalt  }
0x6f: {  	_ =	shalt  }
0x70: {  	_ =	shalt  }
0x71: {  	_ =	shalt  }
0x72: {  	_ =	shalt  }
0x73: {  	_ =	shalt  }
0x74: {  	_ =	shalt  }
0x75: {  	_ =	shalt  }
0x76: {  	_ =	shalt  }
0x77: {  	_ =	shalt  }
0x78: {  	_ =	shalt  }
0x79: {  	_ =	shalt  }
0x7a: {  	_ =	shalt  }
0x7b: {  	_ =	shalt  }
0x7c: {  	_ =	shalt  }
0x7d: {  	_ =	shalt  }
0x7e: {  	_ =	shalt  }
0x7f: {  	_ =	shalt  }
0x80: {  	_ =	shalt  }
0x81: {  	_ =	shalt  }
0x82: {  	_ =	shalt  }
0x83: {  	_ =	shalt  }
0x84: {  	_ =	shalt  }
0x85: {  	_ =	shalt  }
0x86: {  	_ =	shalt  }
0x87: {  	_ =	shalt  }
.Lfunc_end0:
.L_simem_size_0:
called_computation_lowered:
.L_overlay_start_0:
0x88: {  	s2 =	sld [smem:$0x3FD9]  }
0x89: {  	s3 =	sld [smem:$0x3FFE];
	_ =	sdelay $0x1  }
0x8a: {  	s1 =	srdreg.scid  }
0x8b: {  	s0 =	sand.u32 $0x1, s1  }
0x8c: {  	s16 =	sshll.u32 s0, $0xA;
	s2 =	sadd.s32 s3, s2  }
0x8d: {  	s2 =	sadd.s32 s2, s16  }
0x8e: {  	[smem:$0x3FC1] =	sst s2  }
0x8f: {  	_ = 	snop  }
0x90: {  	(tm) =	ssettm $0x1  }
0x91: {  	s17 =	sld [smem:$0x3FFB];
	_ =	sdelay $0x3  }
0x92: {  	_ =	strace s17  }
0x93: {  	s2 =	sld [smem:$0x3FFC];
	_ =	sdelay $0x3  }
0x94: {  	_ =	strace s2  }
0x95: {  	s2 =	sld [smem:$0x3FFD];
	_ =	sdelay $0x3  }
0x96: {  	_ =	strace s2  }
0x97: {  	_ =	strace $0x8FFFFFFF  }
0x98: {  	s18 =	sld [smem:$0x3FDB];
	_ =	sdelay $0x1  }
0x99: {  	s19 =	simm.s32 $_scs_section_size  }
0x9a: {  	s4 =	simm.s32 $_size__tile_overlayer_lowered;
	s5 =	simm.s32 $_tile_overlayer_lowered  }
0x9b: {  	s22 =	simm.s32 $0x1BFF;
	s21 =	sshll.u32 s5, $0x1;
	s2 =	sadd.s32 s19, s18  }
0x9c: {  	s6 =	simm.s32 $0x0;
	s20 =	sshll.u32 s4, $0x1;
	s4 =	sadd.s32 s21, s2  }
0x9d: {  	[timem:s6], [sflag:s22] =	dma.local [hbm:s4], s20  }
0x9e: {  	_ =	swait.ge [sflag:s22], s20  }
0x9f: {  	s3 =	ssub.s32 $0x0, s20;
	[sflag:s22] =	ssyncset.done $0x0  }
0xa0: {  	[sflag:s22] =	ssyncadd.s32 s3;
	_ =	sdelay $0x1  }
0xa1: {  	s23 =	simm.s32 $0x1B8B  }
0xa2: {  	_ =	swait.ge [sflag:s23], $0x1  }
0xa3: {  	[sflag:s23] =	ssyncset.done $0x0  }
0xa4: {  	s25 =	simm.s32 $0x1B8E;
	s24 =	sld [smem:$0x3FFE];
	[sflag:s23] =	ssyncadd.s32 $0xFFFFFFFF  }
0xa5: {  	s26 =	simm.s32 $execute0_lowered;
	[smem:$0x3FD2] =	sst s25  }
0xa6: {  	s4 =	sshll.u32 s26, $0x1;
	_ =	strace $0x80000046;
	[dreg:$0x1] =	wrdreg $0xFFFFFFFF  }
0xa7: {  	s28 =	simm.s32 $_size_execute0_lowered;
	s2 =	sadd.s32 s2, s4;
	[dreg:$0x0] =	wrdreg $0x0  }
0xa8: {  	s4 =	sshll.u32 s28, $0x1;
	[dreg:$0x2] =	wrdreg s2  }
0xa9: {  	[dreg:$0x3] =	wrdreg s4  }
0xaa: {  	[dreg:$0x4] =	wrdreg $0xC0  }
0xab: {  	_ =	task [dreg:s6], $0x5FFFF  }
0xac: {  	[dreg:$0x1] =	wrdreg $0xFFFFFFFF  }
0xad: {  	[dreg:$0x0] =	wrdreg $0x60  }
0xae: {  	[dreg:$0x2] =	wrdreg s24  }
0xaf: {  	[dreg:$0x3] =	wrdreg $0x9  }
0xb0: {  	_ =	task.clear_ibuf [dreg:s6], $0x4FFFF;
	_ =	strace $0x90000046  }
0xb1: {  	s29 =	simm.s32 $0x9;
	_ =	strace $0x80000048  }
0xb2: {  	_ =	swait.ge [sflag:s29], $0x1  }
0xb3: {  	[sflag:s29] =	ssyncadd.s32 $0xFFFFFFFF  }
0xb4: {  	_ =	strace $0x90000048  }
0xb5: {  	_ =	sfence  }
0xb6: {  	s30 =	sld [smem:$0x0];
	_ =	sdelay $0x2  }
0xb7: {  	s31 =	sshll.u32 s1, $0xD;
	s1 =	sshrl.u32 s1, $0x2  }
0xb8: {  	s3 =	sand.u32 $0x4000, s31;
	s1 =	sadd.s32 s1, s30  }
0xb9: {  	s0 =	sor.u32 s3, s0;
	s1 =	sshll.u32 s1, $0x11  }
0xba: {  	s0 =	sor.u32 s1, s0  }
0xbb: {  	s0 =	sadd.s32 $0x8F2B, s0  }
0xbc: {  	[sflag:s0] =	ssyncadd.remote.s32 $0x1  }
0xbd: {  	_ =	sfence.sel $0xFFFF  }
0xbe: {  	[dreg:$0x0] =	wrdreg $0xFFFFFFFF;
	(pc) =	sbr.abs _section_cstart, $3  }
0xbf: {  	[dreg:$0x1] =	wrdreg $0xFFFFFFFF  }
0xc0: {  	_ =	task.clear_ibuf [dreg:s6], $0x2FFFF;
	_ =	strace $0x9FFFFFFF  }
0xc1: {  	(tm) =	ssettm $0x7FFFFFFF  }
tec
execute0_lowered:
.L_overlay_start_1:
0x0: {  	(tag) =	ssettag $0x1  }
0x1: {  	s4 =	rddreg [dreg:$0x0]  }
0x2: {  	s0 =	rddreg [dreg:$0x1];
	s1 =	stileid.u32  }
0x3: {  	s3 =	srdreg.scid;
	s2 =	simm.s32 $0x0;
	s10 =	simm.s32 $0x400  }
0x4: {  	s11 =	simm.s32 $0x0;
	s5 =	smul.u32 $0x9E0, s1;
	s3 =	sand.u32 $0x1, s3  }
0x5: {  	s6 =	sshrl.u32 s1, $0x2;
	s7 =	sshll.u32 s1, $0x8;
	[smem:$0x7FF] =	sst s2  }
0x6: {  	s8 =	sshll.u32 s3, $0x7;
	s6 =	smul.u32 $0x14000, s6;
	_ =	strace $0x80000047  }
0x7: {  	s28 =	ssub.s32 $0x2, s3;
	s9 =	smul.u32 $0x4F0, s3;
	s7 =	sor.u32 s8, s7  }
0x8: {  	s3 =	sadd.s32 $0xC000, s4;
	s25 =	sadd.s32 s5, s4;
	s7 =	sand.u32 $0x380, s7  }
0x9: {  	s29 =	sshrl.u32 s28, $0x1;
	s8 =	simm.s32 $0x2800;
	s26 =	sor.u32 s6, s7  }
0xa: {  	s30 =	ssub.s32 s28, s29;
	s31 =	sadd.s32 s9, s25;
	s5 =	sshrl.u32 s26, $0x3  }
0xb: {  	s9 =	simm.s32 $0x80;
	s6 =	sadd.s32 $0x2200, s31;
	s4 =	sadd.s32 s5, s4  }
0xc: {  	v0 =	vimm.f32 $1.000000000e+00;
	s7 =	simm.s32 $0x1;
	s5 =	smax.u32 s30, $0x1;
	s4 =	sadd.s32 $0xC600, s4  }
.LBB2_1:
0xd: {  	[tilespmem:s2], [sflag:$0x1] =	stream.linear.gather [hbm4b:s3+s2], $0x2800, $0x38;
	[tilespmem:$0x2880] =	vst v63  }
0xe: {  	_ =	swait.ge [sflag:s7], $0x2800  }
0xf: {  	[sflag:s7] =	ssyncset.done $0x0  }
0x10: {  	s12 =	simm.s32 $0x0;
	[sflag:s7] =	ssyncadd.s32 $0xFFFFD800  }
.LBB2_2:
0x11: {  	s13 =	sadd.s32 s12, s6  }
0x12: {  	[tilespmem:s8], [sflag:$0x1] =	stream.linear.gather [hbm4b:s13+s2], $0x80, $0x38;
	[tilespmem:$0x2880] =	vst v63  }
0x13: {  	_ =	swait.ge [sflag:s7], $0x80  }
0x14: {  	[sflag:s7] =	ssyncset.done $0x0  }
0x15: {  	[sflag:s7] =	ssyncadd.s32 $0xFFFFFF80  }
0x16: {  	v1 =	vld [tilespmem:$0x2800];
	_ =	sdelay $0x7  }
0x17: {  	[tilespmem:v1+s2+$0x0] =	vst.idx.add.f32.msk $0xffff, v0  }
0x18: {  	v1 =	vld [tilespmem:$0x2810];
	_ =	sdelay $0x7  }
0x19: {  	[tilespmem:v1+s2+$0x0] =	vst.idx.add.f32.msk $0xffff, v0  }
0x1a: {  	v1 =	vld [tilespmem:$0x2820];
	_ =	sdelay $0x7  }
0x1b: {  	[tilespmem:v1+s2+$0x0] =	vst.idx.add.f32.msk $0xffff, v0  }
0x1c: {  	v1 =	vld [tilespmem:$0x2830];
	_ =	sdelay $0x7  }
0x1d: {  	[tilespmem:v1+s2+$0x0] =	vst.idx.add.f32.msk $0xffff, v0  }
0x1e: {  	v1 =	vld [tilespmem:$0x2840];
	_ =	sdelay $0x7  }
0x1f: {  	[tilespmem:v1+s2+$0x0] =	vst.idx.add.f32.msk $0xffff, v0  }
0x20: {  	v1 =	vld [tilespmem:$0x2850];
	_ =	sdelay $0x7  }
0x21: {  	[tilespmem:v1+s2+$0x0] =	vst.idx.add.f32.msk $0xffff, v0  }
0x22: {  	v1 =	vld [tilespmem:$0x2860];
	_ =	sdelay $0x7  }
0x23: {  	[tilespmem:v1+s2+$0x0] =	vst.idx.add.f32.msk $0xffff, v0  }
0x24: {  	v1 =	vld [tilespmem:$0x2870];
	_ =	sdelay $0x2  }
0x25: {  	p0 =	sne.s32 s12, $0x4E0  }
.Ltmp0:
0x26: {  	_ = 	snop;
	(pc) =	sbr.rel @p0 .LBB2_2-.Ltmp0, $2  }
0x27: {  	_ =	sdelay $0x2  }
0x28: {  	s12 =	sadd.s32 $0x10, s12;
	[tilespmem:v1+s2+$0x0] =	vst.idx.add.f32.msk $0xffff, v0  }
0x29: {  	s11 =	sadd.s32 $0x1, s11  }
0x2a: {  	p0 =	sne.s32 s11, s5  }
.Ltmp1:
0x2b: {  	_ = 	snop;
	(pc) =	sbr.rel @p0 .LBB2_1-.Ltmp1, $4  }
0x2c: {  	[hbm4b:s4+s9] =	stream.strided.scatter [tilespmem:s2], [sflag:$0x1], $0x2800, s10, s9, $0x38;
	[tilespmem:$0x2880] =	vst v63  }
0x2d: {  	_ =	swait.ge [sflag:s7], $0x2800  }
0x2e: {  	[sflag:s7] =	ssyncset.done $0x0  }
0x2f: {  	[sflag:s7] =	ssyncadd.s32 $0xFFFFD800  }
0x30: {  	_ =	sfence.sel $0x180000  }
0x31: {  	[bflag:$0x0] =	sbarrier.arrive $0xFFFF  }
0x32: {  	p0 =	sne.s32 s1, $0x0;
	_ =	strace $0x90000047  }
0x33: {  	s0 =	sadd.s32 @!p0 $0x100000, s0;
	[bflag:$0x2] =	sbarrier.arrive $0xFFFF  }
0x34: {  	[sflag:s0] =	ssyncadd.tile.s32 @!p0 $0x1;
	_ =	shalt  }
.Lfunc_end2:
_tile_overlayer_lowered:
.L_overlay_start_2:
0x35: {  	(tag) =	ssettag $0x2  }
0x36: {  	s0 =	rddreg [dreg:$0x0];
	s2 =	stileid.u32  }
0x37: {  	s1 =	rddreg [dreg:$0x1];
	p0 =	sne.s32 s2, $0x0  }
0x38: {  	s3 =	rddreg [dreg:$0x2];
	[bflag:$0x3] =	sbarrier.arrive $0xFFFF;
	s2 =	simm.s32 @!p0 $0x1C01  }
0x39: {  	[timem:s3], [sflag:s2] =	dma.local @!p0 [hbm:s0], s1  }
0x3a: {  	s0 =	simm.s32 @!p0 $0x1  }
0x3b: {  	_ =	swait.ge @!p0 [sflag:s0], s1  }
0x3c: {  	s1 =	ssub.s32 @!p0 $0x0, s1;
	[sflag:s0] =	ssyncset.done @!p0 $0x0  }
0x3d: {  	[sflag:s0] =	ssyncadd.s32 @!p0 s1  }
0x3e: {  	[bflag:$0x3] =	sbarrier.arrive $0xFFFF  }
0x3f: {  	_ =	shalt  }

</sc_bundles>
